<compile_context>
chip_gen: v7x
topology: tpu7x:2x2x1
jax: 0.10.2.dev20260603
libtpu: 0.0.44.dev20260713+nightly
codegen_flags: <defaults>
</compile_context>

<pallas_src>
import functools

import jax
import jax.numpy as jnp
from jax import lax
from jax.experimental import pallas as pl
from jax.experimental.pallas import tpu as pltpu
from jax.experimental.pallas import tpu_sc as plsc

_TOTAL = 32768
_B = 16
_D = 128
_NC = 2
_NS = 16
_NW = _NC * _NS
_LANES = 16

_R_SC = 4096
_SC_BASE = _TOTAL - _R_SC
_ROWS_PER_W = _R_SC // _NW
_CHUNK = 128
_NCHUNK = _ROWS_PER_W // _CHUNK
_NBUF = 2

_CBLK = 4096
_NCBLK = _TOTAL // _CBLK
_NTCB = _SC_BASE // _CBLK


def _sc_body(x_hbm, seg_hbm, sums_out, xbuf, idxbuf, zbuf, acc_sh,
             lsem, ssem):
    c = lax.axis_index("c")
    s = lax.axis_index("s")
    w = c * _NS + s
    base = _SC_BASE + w * _ROWS_PER_W

    zero_v = jnp.zeros((_LANES,), jnp.float32)

    pltpu.sync_copy(
        seg_hbm.at[pl.ds(_SC_BASE // _CHUNK + w * _NCHUNK, _NCHUNK)], idxbuf)
    off = s * _B
    for g in range(_NCHUNK):
        for k in range(_CHUNK // _LANES):
            sl = pl.ds(k * _LANES, _LANES)
            idxbuf[g, sl] = idxbuf[g, sl] + off

    for i in range(_B):
        for j in range(_D // _LANES):
            zbuf[i, pl.ds(j * _LANES, _LANES)] = zero_v
    pltpu.sync_copy(zbuf, acc_sh.at[pl.ds(off, _B)])

    ld = [None] * _NCHUNK
    sc = [None] * _NCHUNK
    for g in range(min(_NBUF - 1, _NCHUNK)):
        ld[g] = pltpu.async_copy(x_hbm.at[pl.ds(base + g * _CHUNK, _CHUNK)],
                                 xbuf.at[g % _NBUF], lsem.at[g % _NBUF])
    for g in range(_NCHUNK):
        b = g % _NBUF
        ld[g].wait()
        sc[g] = pltpu.async_copy(xbuf.at[b], acc_sh.at[idxbuf.at[g]],
                                 ssem.at[b], add=True)
        nxt = g + _NBUF - 1
        if nxt < _NCHUNK:
            if g >= 1:
                sc[g - 1].wait()
            ld[nxt] = pltpu.async_copy(
                x_hbm.at[pl.ds(base + nxt * _CHUNK, _CHUNK)],
                xbuf.at[nxt % _NBUF], lsem.at[nxt % _NBUF])
    for g in range(max(0, _NCHUNK - _NBUF), _NCHUNK):
        sc[g].wait()

    plsc.subcore_barrier()
    plsc.subcore_barrier()
    pltpu.sync_copy(acc_sh.at[pl.ds(off, _B)], zbuf)
    pltpu.sync_copy(zbuf, sums_out.at[w])


_sc_segment_sums = functools.partial(
    pl.kernel,
    out_type=jax.ShapeDtypeStruct((_NW, _B, _D), jnp.float32),
    mesh=plsc.VectorSubcoreMesh(core_axis_name="c", subcore_axis_name="s",
                                num_cores=_NC, num_subcores=_NS),
    scratch_types=[
        pltpu.VMEM((_NBUF, _CHUNK, _D), jnp.float32),
        pltpu.VMEM((_NCHUNK, _CHUNK), jnp.int32),
        pltpu.VMEM((_B, _D), jnp.float32),
        pltpu.VMEM_SHARED((_NS * _B, _D), jnp.float32),
        pltpu.SemaphoreType.DMA((_NBUF,)),
        pltpu.SemaphoreType.DMA((_NBUF,)),
    ],
)(_sc_body)


def _tc_partial(seg_ref, x_ref, cnt_ref, xsum_ref, acc_c, acc_x):
    i = pl.program_id(0)

    @pl.when(i == 0)
    def _init():
        acc_c[...] = jnp.zeros((_B, _D), jnp.float32)
        acc_x[...] = jnp.zeros((_B, _D), jnp.float32)

    seg = seg_ref[0]
    oh = (lax.broadcasted_iota(jnp.int32, (_B, _CBLK), 0)
          == jnp.broadcast_to(seg, (_B, _CBLK))).astype(jnp.float32)
    acc_c[...] += jnp.broadcast_to(
        jnp.sum(oh, axis=1, keepdims=True), (_B, _D))

    @pl.when(i < _NTCB)
    def _xsum():
        acc_x[...] += lax.dot_general(oh, x_ref[...],
                                      (((1,), (0,)), ((), ())),
                                      preferred_element_type=jnp.float32)

    @pl.when(i == _NCBLK - 1)
    def _out():
        cnt_ref[...] = acc_c[...]
        xsum_ref[...] = acc_x[...]


def _tc_finish(sums_ref, tcsum_ref, cnts_ref, wenc_ref, benc_ref,
               wq0_ref, wq1_ref, keys_ref, q0_ref, q1_ref):
    s = jnp.sum(sums_ref[...], axis=0) + tcsum_ref[...]
    cnt = cnts_ref[...]
    denom = jnp.maximum(cnt, 1.0)
    keys = (jnp.dot(s, wenc_ref[...], preferred_element_type=jnp.float32)
            + cnt * benc_ref[...]) / denom
    keys_ref[...] = keys
    q0_ref[...] = jnp.dot(keys, wq0_ref[...], preferred_element_type=jnp.float32)
    q1_ref[...] = jnp.dot(keys, wq1_ref[...], preferred_element_type=jnp.float32)


def kernel(x, segment_ids, W_enc, b_enc, W_q0, W_q1):
    seg2 = segment_ids.reshape(_TOTAL // _CHUNK, _CHUNK)
    seg3 = segment_ids.reshape(_NCBLK, 1, _CBLK)
    cnts, tcsum = pl.pallas_call(
        _tc_partial,
        grid=(_NCBLK,),
        in_specs=[
            pl.BlockSpec((1, 1, _CBLK), lambda i: (i, 0, 0)),
            pl.BlockSpec((_CBLK, _D),
                         lambda i: (jnp.minimum(i, _NTCB - 1), 0)),
        ],
        out_specs=[pl.BlockSpec((_B, _D), lambda i: (0, 0))] * 2,
        out_shape=[jax.ShapeDtypeStruct((_B, _D), jnp.float32)] * 2,
        scratch_shapes=[pltpu.VMEM((_B, _D), jnp.float32),
                        pltpu.VMEM((_B, _D), jnp.float32)],
        compiler_params=pltpu.CompilerParams(
            dimension_semantics=("arbitrary",)),
    )(seg3, x)
    sums = _sc_segment_sums(x, seg2)
    keys, q0, q1 = pl.pallas_call(
        _tc_finish,
        out_shape=[jax.ShapeDtypeStruct((_B, _D), jnp.float32)] * 3,
    )(sums, tcsum, cnts, W_enc, b_enc.reshape(1, _D), W_q0, W_q1)
    return (keys, q0, q1)

# --- scband reference (transcript-rebuilt; emitter-appended) ---
"""Pipeline reference for scband-graph-module-46943992546020 (READ-ONLY COPY).

The authoritative reference and input builder live on the scoring server;
editing this copy changes nothing except your own understanding.
"""

import jax, jax.numpy as jnp
import numpy as np

TOTAL_TOKENS = 32768
B = 16
D = 128


def setup_inputs(seed: int = 0) -> dict:
    key = jax.random.key(seed)
    k1, k2, k3, k4, k5 = jax.random.split(key, 5)
    x = jax.random.normal(k1, (TOTAL_TOKENS, D), dtype=jnp.float32)
    segment_ids = jnp.sort(jax.random.randint(k2, (TOTAL_TOKENS,), 0, B, dtype=jnp.int32))
    # encoder: single linear layer (stand-in for the graph encoder producing node features)
    W_enc = jax.random.normal(k3, (D, D), dtype=jnp.float32) * 0.05
    b_enc = jnp.zeros((D,), dtype=jnp.float32)
    # two query_fn modules: linear projection followed by masked mean pooling
    W_q0 = jax.random.normal(k4, (D, D), dtype=jnp.float32) * 0.05
    W_q1 = jax.random.normal(k5, (D, D), dtype=jnp.float32) * 0.05
    return {"x": x, "segment_ids": segment_ids, "W_enc": W_enc, "b_enc": b_enc, "W_q0": W_q0, "W_q1": W_q1}


def reference(x, segment_ids, W_enc, b_enc, W_q0, W_q1):
    # encoder(batch) -> per-node features
    features = x @ W_enc + b_enc
    # split by batch_num_nodes + pad_sequence + masked mean pooling
    # is mathematically segment-mean over per-graph node segments
    ones = jnp.ones((features.shape[0],), dtype=jnp.float32)
    counts = jnp.maximum(jax.ops.segment_sum(ones, segment_ids, num_segments=B), 1.0)
    keys = jax.ops.segment_sum(features, segment_ids, num_segments=B) / counts[:, None]
    # query_fn[i](features, masks): linear projection then masked mean pooling
    q0 = jax.ops.segment_sum(features @ W_q0, segment_ids, num_segments=B) / counts[:, None]
    q1 = jax.ops.segment_sum(features @ W_q1, segment_ids, num_segments=B) / counts[:, None]
    # forward returns [keys] + queries
    return (keys, q0, q1)

if __name__ == "__main__":
    import jax
    _d = setup_inputs()
    print(jax.jit(kernel)(*tuple(_d.values())))

</pallas_src>

<mosaic_0001>
#map = affine_map<(d0, d1) -> (0, 0)>
#map1 = affine_map<(d0, d1) -> (0, 0, 0)>
module attributes {stable_mosaic.version = 14 : i64} {
  func.func @_sc_body(%arg0: i32, %arg1: i32, %arg2: memref<32768x128xf32, #tpu.memory_space<hbm>>, %arg3: memref<256x128xi32, #tpu.memory_space<hbm>>, %arg4: memref<32x16x128xf32, #tpu.memory_space<hbm>>, %arg5: memref<2x128x128xf32, #tpu.memory_space<vmem>>, %arg6: memref<1x128xi32, #tpu.memory_space<vmem>>, %arg7: memref<16x128xf32, #tpu.memory_space<vmem>>, %arg8: memref<256x128xf32, #tpu.memory_space<vmem_shared>>, %arg9: memref<2x!tpu.dma_semaphore, #tpu.memory_space<semaphore_mem>>, %arg10: memref<2x!tpu.dma_semaphore, #tpu.memory_space<semaphore_mem>>) attributes {dimension_semantics = [#tpu.dimension_semantics<core_parallel>, #tpu.dimension_semantics<subcore_parallel>], iteration_bounds = array<i64: 2, 16>, scalar_prefetch = 0 : i64, scratch_operands = 6 : i64, tpu.core_type = #tpu.core_type<sc_vector_subcore>, window_params = [{transform_indices = #map}, {transform_indices = #map}, {transform_indices = #map1}]} {
    %mul3A = arith.constant 16 : i32
    %mul3A_0 = arith.muli %arg0, %mul3A : i32
    %add3A = arith.addi %mul3A_0, %arg1 : i32
    %mul3A_1 = arith.constant 128 : i32
    %mul3A_2 = arith.muli %add3A, %mul3A_1 : i32
    %add3A_3 = arith.constant 28672 : i32
    %add3A_4 = arith.addi %add3A_3, %mul3A_2 : i32
    %broadcast_in_dim3A = arith.constant 0.000000e+00 : f32
    %broadcast_in_dim3A_5 = vector.broadcast %broadcast_in_dim3A : f32 to vector<16xf32>
    %mul3A_6 = arith.constant 1 : i32
    %mul3A_7 = arith.muli %add3A, %mul3A_6 : i32
    %add3A_8 = arith.constant 224 : i32
    %add3A_9 = arith.addi %add3A_8, %mul3A_7 : i32
    "tpu.region"() ({
      %run_scoped3A = tpu.sem_alloc : memref<!tpu.dma_semaphore, #tpu.memory_space<semaphore_mem>>
      %dma_start3A_945 = arith.constant 0 : i32
      %dma_start3A_946 = tpu.memref_slice %arg3[%add3A_9, %dma_start3A_945] : memref<256x128xi32, #tpu.memory_space<hbm>> -> memref<1x128xi32, #tpu.memory_space<hbm>>
      %dma_start3A_947 = arith.constant 0 : i32
      %dma_start3A_948 = tpu.memref_slice %arg3[%add3A_9, %dma_start3A_947] : memref<256x128xi32, #tpu.memory_space<hbm>> -> memref<1x128xi32, #tpu.memory_space<hbm>>
      tpu.enqueue_dma source(%dma_start3A_948 : memref<1x128xi32, #tpu.memory_space<hbm>>) target(%arg6 : memref<1x128xi32, #tpu.memory_space<vmem>>) target_semaphore(%run_scoped3A : memref<!tpu.dma_semaphore, #tpu.memory_space<semaphore_mem>>)
      %dma_wait3A_949 = arith.constant 0 : i32
      %dma_wait3A_950 = tpu.memref_slice %arg3[%add3A_9, %dma_wait3A_949] : memref<256x128xi32, #tpu.memory_space<hbm>> -> memref<1x128xi32, #tpu.memory_space<hbm>>
      %dma_wait3A_951 = arith.constant 0 : i32
      %dma_wait3A_952 = tpu.memref_slice %arg3[%add3A_9, %dma_wait3A_951] : memref<256x128xi32, #tpu.memory_space<hbm>> -> memref<1x128xi32, #tpu.memory_space<hbm>>
      tpu.wait_dma2 semaphore(%run_scoped3A : memref<!tpu.dma_semaphore, #tpu.memory_space<semaphore_mem>>) src(%dma_wait3A_952 : memref<1x128xi32, #tpu.memory_space<hbm>>) dst(%arg6 : memref<1x128xi32, #tpu.memory_space<vmem>>)
      tpu.yield
    }) : () -> ()
    %mul3A_10 = arith.constant 16 : i32
    %mul3A_11 = arith.muli %arg1, %mul3A_10 : i32
    %get3A = arith.constant 0 : i32
    %get3A_12 = arith.index_cast %get3A : i32 to index
    %get3A_13 = arith.constant 0 : index
    %get3A_14 = tpu.vector_load %arg6[%get3A_12, %get3A_13] {strides = array<i32>} : memref<1x128xi32, #tpu.memory_space<vmem>>, vector<1x16xi32>,
    %get3A_15 = vector.shape_cast %get3A_14 : vector<1x16xi32> to vector<16xi32>
    %add3A_16 = vector.broadcast %mul3A_11 : i32 to vector<16xi32>
    %add3A_17 = arith.addi %get3A_15, %add3A_16 : vector<16xi32>
    %swap3A = arith.constant 0 : i32
    %swap3A_18 = arith.index_cast %swap3A : i32 to index
    %swap3A_19 = arith.constant 0 : index
    %swap3A_20 = tpu.vector_load %arg6[%swap3A_18, %swap3A_19] {strides = array<i32>} : memref<1x128xi32, #tpu.memory_space<vmem>>, vector<1x16xi32>,
    %swap3A_21 = vector.shape_cast %swap3A_20 : vector<1x16xi32> to vector<16xi32>
    %swap3A_22 = vector.shape_cast %add3A_17 : vector<16xi32> to vector<1x16xi32>
    tpu.vector_store %arg6[%swap3A_18, %swap3A_19], %swap3A_22 {strides = array<i32>} : memref<1x128xi32, #tpu.memory_space<vmem>>, vector<1x16xi32>,
    %get3A_23 = arith.constant 0 : i32
    %get3A_24 = arith.index_cast %get3A_23 : i32 to index
    %get3A_25 = arith.constant 16 : index
    %get3A_26 = tpu.vector_load %arg6[%get3A_24, %get3A_25] {strides = array<i32>} : memref<1x128xi32, #tpu.memory_space<vmem>>, vector<1x16xi32>,
    %get3A_27 = vector.shape_cast %get3A_26 : vector<1x16xi32> to vector<16xi32>
    %add3A_28 = vector.broadcast %mul3A_11 : i32 to vector<16xi32>
    %add3A_29 = arith.addi %get3A_27, %add3A_28 : vector<16xi32>
    %swap3A_30 = arith.constant 0 : i32
    %swap3A_31 = arith.index_cast %swap3A_30 : i32 to index
    %swap3A_32 = arith.constant 16 : index
    %swap3A_33 = tpu.vector_load %arg6[%swap3A_31, %swap3A_32] {strides = array<i32>} : memref<1x128xi32, #tpu.memory_space<vmem>>, vector<1x16xi32>,
    %swap3A_34 = vector.shape_cast %swap3A_33 : vector<1x16xi32> to vector<16xi32>
    %swap3A_35 = vector.shape_cast %add3A_29 : vector<16xi32> to vector<1x16xi32>
    tpu.vector_store %arg6[%swap3A_31, %swap3A_32], %swap3A_35 {strides = array<i32>} : memref<1x128xi32, #tpu.memory_space<vmem>>, vector<1x16xi32>,
    %get3A_36 = arith.constant 0 : i32
    %get3A_37 = arith.index_cast %get3A_36 : i32 to index
    %get3A_38 = arith.constant 32 : index
    %get3A_39 = tpu.vector_load %arg6[%get3A_37, %get3A_38] {strides = array<i32>} : memref<1x128xi32, #tpu.memory_space<vmem>>, vector<1x16xi32>,
    %get3A_40 = vector.shape_cast %get3A_39 : vector<1x16xi32> to vector<16xi32>
    %add3A_41 = vector.broadcast %mul3A_11 : i32 to vector<16xi32>
    %add3A_42 = arith.addi %get3A_40, %add3A_41 : vector<16xi32>
    %swap3A_43 = arith.constant 0 : i32
    %swap3A_44 = arith.index_cast %swap3A_43 : i32 to index
    %swap3A_45 = arith.constant 32 : index
    %swap3A_46 = tpu.vector_load %arg6[%swap3A_44, %swap3A_45] {strides = array<i32>} : memref<1x128xi32, #tpu.memory_space<vmem>>, vector<1x16xi32>,
    %swap3A_47 = vector.shape_cast %swap3A_46 : vector<1x16xi32> to vector<16xi32>
    %swap3A_48 = vector.shape_cast %add3A_42 : vector<16xi32> to vector<1x16xi32>
    tpu.vector_store %arg6[%swap3A_44, %swap3A_45], %swap3A_48 {strides = array<i32>} : memref<1x128xi32, #tpu.memory_space<vmem>>, vector<1x16xi32>,
    %get3A_49 = arith.constant 0 : i32
    %get3A_50 = arith.index_cast %get3A_49 : i32 to index
    %get3A_51 = arith.constant 48 : index
    %get3A_52 = tpu.vector_load %arg6[%get3A_50, %get3A_51] {strides = array<i32>} : memref<1x128xi32, #tpu.memory_space<vmem>>, vector<1x16xi32>,
    %get3A_53 = vector.shape_cast %get3A_52 : vector<1x16xi32> to vector<16xi32>
    %add3A_54 = vector.broadcast %mul3A_11 : i32 to vector<16xi32>
    %add3A_55 = arith.addi %get3A_53, %add3A_54 : vector<16xi32>
    %swap3A_56 = arith.constant 0 : i32
    %swap3A_57 = arith.index_cast %swap3A_56 : i32 to index
    %swap3A_58 = arith.constant 48 : index
    %swap3A_59 = tpu.vector_load %arg6[%swap3A_57, %swap3A_58] {strides = array<i32>} : memref<1x128xi32, #tpu.memory_space<vmem>>, vector<1x16xi32>,
    %swap3A_60 = vector.shape_cast %swap3A_59 : vector<1x16xi32> to vector<16xi32>
    %swap3A_61 = vector.shape_cast %add3A_55 : vector<16xi32> to vector<1x16xi32>
    tpu.vector_store %arg6[%swap3A_57, %swap3A_58], %swap3A_61 {strides = array<i32>} : memref<1x128xi32, #tpu.memory_space<vmem>>, vector<1x16xi32>,
    %get3A_62 = arith.constant 0 : i32
    %get3A_63 = arith.index_cast %get3A_62 : i32 to index
    %get3A_64 = arith.constant 64 : index
    %get3A_65 = tpu.vector_load %arg6[%get3A_63, %get3A_64] {strides = array<i32>} : memref<1x128xi32, #tpu.memory_space<vmem>>, vector<1x16xi32>,
    %get3A_66 = vector.shape_cast %get3A_65 : vector<1x16xi32> to vector<16xi32>
    %add3A_67 = vector.broadcast %mul3A_11 : i32 to vector<16xi32>
    %add3A_68 = arith.addi %get3A_66, %add3A_67 : vector<16xi32>
    %swap3A_69 = arith.constant 0 : i32
    %swap3A_70 = arith.index_cast %swap3A_69 : i32 to index
    %swap3A_71 = arith.constant 64 : index
    %swap3A_72 = tpu.vector_load %arg6[%swap3A_70, %swap3A_71] {strides = array<i32>} : memref<1x128xi32, #tpu.memory_space<vmem>>, vector<1x16xi32>,
    %swap3A_73 = vector.shape_cast %swap3A_72 : vector<1x16xi32> to vector<16xi32>
    %swap3A_74 = vector.shape_cast %add3A_68 : vector<16xi32> to vector<1x16xi32>
    tpu.vector_store %arg6[%swap3A_70, %swap3A_71], %swap3A_74 {strides = array<i32>} : memref<1x128xi32, #tpu.memory_space<vmem>>, vector<1x16xi32>,
    %get3A_75 = arith.constant 0 : i32
    %get3A_76 = arith.index_cast %get3A_75 : i32 to index
    %get3A_77 = arith.constant 80 : index
    %get3A_78 = tpu.vector_load %arg6[%get3A_76, %get3A_77] {strides = array<i32>} : memref<1x128xi32, #tpu.memory_space<vmem>>, vector<1x16xi32>,
    %get3A_79 = vector.shape_cast %get3A_78 : vector<1x16xi32> to vector<16xi32>
    %add3A_80 = vector.broadcast %mul3A_11 : i32 to vector<16xi32>
    %add3A_81 = arith.addi %get3A_79, %add3A_80 : vector<16xi32>
    %swap3A_82 = arith.constant 0 : i32
    %swap3A_83 = arith.index_cast %swap3A_82 : i32 to index
    %swap3A_84 = arith.constant 80 : index
    %swap3A_85 = tpu.vector_load %arg6[%swap3A_83, %swap3A_84] {strides = array<i32>} : memref<1x128xi32, #tpu.memory_space<vmem>>, vector<1x16xi32>,
    %swap3A_86 = vector.shape_cast %swap3A_85 : vector<1x16xi32> to vector<16xi32>
    %swap3A_87 = vector.shape_cast %add3A_81 : vector<16xi32> to vector<1x16xi32>
    tpu.vector_store %arg6[%swap3A_83, %swap3A_84], %swap3A_87 {strides = array<i32>} : memref<1x128xi32, #tpu.memory_space<vmem>>, vector<1x16xi32>,
    %get3A_88 = arith.constant 0 : i32
    %get3A_89 = arith.index_cast %get3A_88 : i32 to index
    %get3A_90 = arith.constant 96 : index
    %get3A_91 = tpu.vector_load %arg6[%get3A_89, %get3A_90] {strides = array<i32>} : memref<1x128xi32, #tpu.memory_space<vmem>>, vector<1x16xi32>,
    %get3A_92 = vector.shape_cast %get3A_91 : vector<1x16xi32> to vector<16xi32>
    %add3A_93 = vector.broadcast %mul3A_11 : i32 to vector<16xi32>
    %add3A_94 = arith.addi %get3A_92, %add3A_93 : vector<16xi32>
    %swap3A_95 = arith.constant 0 : i32
    %swap3A_96 = arith.index_cast %swap3A_95 : i32 to index
    %swap3A_97 = arith.constant 96 : index
    %swap3A_98 = tpu.vector_load %arg6[%swap3A_96, %swap3A_97] {strides = array<i32>} : memref<1x128xi32, #tpu.memory_space<vmem>>, vector<1x16xi32>,
    %swap3A_99 = vector.shape_cast %swap3A_98 : vector<1x16xi32> to vector<16xi32>
    %swap3A_100 = vector.shape_cast %add3A_94 : vector<16xi32> to vector<1x16xi32>
    tpu.vector_store %arg6[%swap3A_96, %swap3A_97], %swap3A_100 {strides = array<i32>} : memref<1x128xi32, #tpu.memory_space<vmem>>, vector<1x16xi32>,
    %get3A_101 = arith.constant 0 : i32
    %get3A_102 = arith.index_cast %get3A_101 : i32 to index
    %get3A_103 = arith.constant 112 : index
    %get3A_104 = tpu.vector_load %arg6[%get3A_102, %get3A_103] {strides = array<i32>} : memref<1x128xi32, #tpu.memory_space<vmem>>, vector<1x16xi32>,
    %get3A_105 = vector.shape_cast %get3A_104 : vector<1x16xi32> to vector<16xi32>
    %add3A_106 = vector.broadcast %mul3A_11 : i32 to vector<16xi32>
    %add3A_107 = arith.addi %get3A_105, %add3A_106 : vector<16xi32>
    %swap3A_108 = arith.constant 0 : i32
    %swap3A_109 = arith.index_cast %swap3A_108 : i32 to index
    %swap3A_110 = arith.constant 112 : index
    %swap3A_111 = tpu.vector_load %arg6[%swap3A_109, %swap3A_110] {strides = array<i32>} : memref<1x128xi32, #tpu.memory_space<vmem>>, vector<1x16xi32>,
    %swap3A_112 = vector.shape_cast %swap3A_111 : vector<1x16xi32> to vector<16xi32>
    %swap3A_113 = vector.shape_cast %add3A_107 : vector<16xi32> to vector<1x16xi32>
    tpu.vector_store %arg6[%swap3A_109, %swap3A_110], %swap3A_113 {strides = array<i32>} : memref<1x128xi32, #tpu.memory_space<vmem>>, vector<1x16xi32>,
    %swap3A_114 = arith.constant 0 : i32
    %swap3A_115 = arith.index_cast %swap3A_114 : i32 to index
    %swap3A_116 = arith.constant 0 : index
    %swap3A_117 = tpu.vector_load %arg7[%swap3A_115, %swap3A_116] {strides = array<i32>} : memref<16x128xf32, #tpu.memory_space<vmem>>, vector<1x16xf32>,
    %swap3A_118 = vector.shape_cast %swap3A_117 : vector<1x16xf32> to vector<16xf32>
    %swap3A_119 = vector.shape_cast %broadcast_in_dim3A_5 : vector<16xf32> to vector<1x16xf32>
    tpu.vector_store %arg7[%swap3A_115, %swap3A_116], %swap3A_119 {strides = array<i32>} : memref<16x128xf32, #tpu.memory_space<vmem>>, vector<1x16xf32>,
    %swap3A_120 = arith.constant 0 : i32
    %swap3A_121 = arith.index_cast %swap3A_120 : i32 to index
    %swap3A_122 = arith.constant 16 : index
    %swap3A_123 = tpu.vector_load %arg7[%swap3A_121, %swap3A_122] {strides = array<i32>} : memref<16x128xf32, #tpu.memory_space<vmem>>, vector<1x16xf32>,
    %swap3A_124 = vector.shape_cast %swap3A_123 : vector<1x16xf32> to vector<16xf32>
    %swap3A_125 = vector.shape_cast %broadcast_in_dim3A_5 : vector<16xf32> to vector<1x16xf32>
    tpu.vector_store %arg7[%swap3A_121, %swap3A_122], %swap3A_125 {strides = array<i32>} : memref<16x128xf32, #tpu.memory_space<vmem>>, vector<1x16xf32>,
    %swap3A_126 = arith.constant 0 : i32
    %swap3A_127 = arith.index_cast %swap3A_126 : i32 to index
    %swap3A_128 = arith.constant 32 : index
    %swap3A_129 = tpu.vector_load %arg7[%swap3A_127, %swap3A_128] {strides = array<i32>} : memref<16x128xf32, #tpu.memory_space<vmem>>, vector<1x16xf32>,
    %swap3A_130 = vector.shape_cast %swap3A_129 : vector<1x16xf32> to vector<16xf32>
    %swap3A_131 = vector.shape_cast %broadcast_in_dim3A_5 : vector<16xf32> to vector<1x16xf32>
    tpu.vector_store %arg7[%swap3A_127, %swap3A_128], %swap3A_131 {strides = array<i32>} : memref<16x128xf32, #tpu.memory_space<vmem>>, vector<1x16xf32>,
    %swap3A_132 = arith.constant 0 : i32
    %swap3A_133 = arith.index_cast %swap3A_132 : i32 to index
    %swap3A_134 = arith.constant 48 : index
    %swap3A_135 = tpu.vector_load %arg7[%swap3A_133, %swap3A_134] {strides = array<i32>} : memref<16x128xf32, #tpu.memory_space<vmem>>, vector<1x16xf32>,
    %swap3A_136 = vector.shape_cast %swap3A_135 : vector<1x16xf32> to vector<16xf32>
    %swap3A_137 = vector.shape_cast %broadcast_in_dim3A_5 : vector<16xf32> to vector<1x16xf32>
    tpu.vector_store %arg7[%swap3A_133, %swap3A_134], %swap3A_137 {strides = array<i32>} : memref<16x128xf32, #tpu.memory_space<vmem>>, vector<1x16xf32>,
    %swap3A_138 = arith.constant 0 : i32
    %swap3A_139 = arith.index_cast %swap3A_138 : i32 to index
    %swap3A_140 = arith.constant 64 : index
    %swap3A_141 = tpu.vector_load %arg7[%swap3A_139, %swap3A_140] {strides = array<i32>} : memref<16x128xf32, #tpu.memory_space<vmem>>, vector<1x16xf32>,
    %swap3A_142 = vector.shape_cast %swap3A_141 : vector<1x16xf32> to vector<16xf32>
    %swap3A_143 = vector.shape_cast %broadcast_in_dim3A_5 : vector<16xf32> to vector<1x16xf32>
    tpu.vector_store %arg7[%swap3A_139, %swap3A_140], %swap3A_143 {strides = array<i32>} : memref<16x128xf32, #tpu.memory_space<vmem>>, vector<1x16xf32>,
    %swap3A_144 = arith.constant 0 : i32
    %swap3A_145 = arith.index_cast %swap3A_144 : i32 to index
    %swap3A_146 = arith.constant 80 : index
    %swap3A_147 = tpu.vector_load %arg7[%swap3A_145, %swap3A_146] {strides = array<i32>} : memref<16x128xf32, #tpu.memory_space<vmem>>, vector<1x16xf32>,
    %swap3A_148 = vector.shape_cast %swap3A_147 : vector<1x16xf32> to vector<16xf32>
    %swap3A_149 = vector.shape_cast %broadcast_in_dim3A_5 : vector<16xf32> to vector<1x16xf32>
    tpu.vector_store %arg7[%swap3A_145, %swap3A_146], %swap3A_149 {strides = array<i32>} : memref<16x128xf32, #tpu.memory_space<vmem>>, vector<1x16xf32>,
    %swap3A_150 = arith.constant 0 : i32
    %swap3A_151 = arith.index_cast %swap3A_150 : i32 to index
    %swap3A_152 = arith.constant 96 : index
    %swap3A_153 = tpu.vector_load %arg7[%swap3A_151, %swap3A_152] {strides = array<i32>} : memref<16x128xf32, #tpu.memory_space<vmem>>, vector<1x16xf32>,
    %swap3A_154 = vector.shape_cast %swap3A_153 : vector<1x16xf32> to vector<16xf32>
    %swap3A_155 = vector.shape_cast %broadcast_in_dim3A_5 : vector<16xf32> to vector<1x16xf32>
    tpu.vector_store %arg7[%swap3A_151, %swap3A_152], %swap3A_155 {strides = array<i32>} : memref<16x128xf32, #tpu.memory_space<vmem>>, vector<1x16xf32>,
    %swap3A_156 = arith.constant 0 : i32
    %swap3A_157 = arith.index_cast %swap3A_156 : i32 to index
    %swap3A_158 = arith.constant 112 : index
    %swap3A_159 = tpu.vector_load %arg7[%swap3A_157, %swap3A_158] {strides = array<i32>} : memref<16x128xf32, #tpu.memory_space<vmem>>, vector<1x16xf32>,
    %swap3A_160 = vector.shape_cast %swap3A_159 : vector<1x16xf32> to vector<16xf32>
    %swap3A_161 = vector.shape_cast %broadcast_in_dim3A_5 : vector<16xf32> to vector<1x16xf32>
    tpu.vector_store %arg7[%swap3A_157, %swap3A_158], %swap3A_161 {strides = array<i32>} : memref<16x128xf32, #tpu.memory_space<vmem>>, vector<1x16xf32>,
    %swap3A_162 = arith.constant 1 : i32
    %swap3A_163 = arith.index_cast %swap3A_162 : i32 to index
    %swap3A_164 = arith.constant 0 : index
    %swap3A_165 = tpu.vector_load %arg7[%swap3A_163, %swap3A_164] {strides = array<i32>} : memref<16x128xf32, #tpu.memory_space<vmem>>, vector<1x16xf32>,
    %swap3A_166 = vector.shape_cast %swap3A_165 : vector<1x16xf32> to vector<16xf32>
    %swap3A_167 = vector.shape_cast %broadcast_in_dim3A_5 : vector<16xf32> to vector<1x16xf32>
    tpu.vector_store %arg7[%swap3A_163, %swap3A_164], %swap3A_167 {strides = array<i32>} : memref<16x128xf32, #tpu.memory_space<vmem>>, vector<1x16xf32>,
    %swap3A_168 = arith.constant 1 : i32
    %swap3A_169 = arith.index_cast %swap3A_168 : i32 to index
    %swap3A_170 = arith.constant 16 : index
    %swap3A_171 = tpu.vector_load %arg7[%swap3A_169, %swap3A_170] {strides = array<i32>} : memref<16x128xf32, #tpu.memory_space<vmem>>, vector<1x16xf32>,
    %swap3A_172 = vector.shape_cast %swap3A_171 : vector<1x16xf32> to vector<16xf32>
    %swap3A_173 = vector.shape_cast %broadcast_in_dim3A_5 : vector<16xf32> to vector<1x16xf32>
    tpu.vector_store %arg7[%swap3A_169, %swap3A_170], %swap3A_173 {strides = array<i32>} : memref<16x128xf32, #tpu.memory_space<vmem>>, vector<1x16xf32>,
    %swap3A_174 = arith.constant 1 : i32
    %swap3A_175 = arith.index_cast %swap3A_174 : i32 to index
    %swap3A_176 = arith.constant 32 : index
    %swap3A_177 = tpu.vector_load %arg7[%swap3A_175, %swap3A_176] {strides = array<i32>} : memref<16x128xf32, #tpu.memory_space<vmem>>, vector<1x16xf32>,
    %swap3A_178 = vector.shape_cast %swap3A_177 : vector<1x16xf32> to vector<16xf32>
    %swap3A_179 = vector.shape_cast %broadcast_in_dim3A_5 : vector<16xf32> to vector<1x16xf32>
    tpu.vector_store %arg7[%swap3A_175, %swap3A_176], %swap3A_179 {strides = array<i32>} : memref<16x128xf32, #tpu.memory_space<vmem>>, vector<1x16xf32>,
    %swap3A_180 = arith.constant 1 : i32
    %swap3A_181 = arith.index_cast %swap3A_180 : i32 to index
    %swap3A_182 = arith.constant 48 : index
    %swap3A_183 = tpu.vector_load %arg7[%swap3A_181, %swap3A_182] {strides = array<i32>} : memref<16x128xf32, #tpu.memory_space<vmem>>, vector<1x16xf32>,
    %swap3A_184 = vector.shape_cast %swap3A_183 : vector<1x16xf32> to vector<16xf32>
    %swap3A_185 = vector.shape_cast %broadcast_in_dim3A_5 : vector<16xf32> to vector<1x16xf32>
    tpu.vector_store %arg7[%swap3A_181, %swap3A_182], %swap3A_185 {strides = array<i32>} : memref<16x128xf32, #tpu.memory_space<vmem>>, vector<1x16xf32>,
    %swap3A_186 = arith.constant 1 : i32
    %swap3A_187 = arith.index_cast %swap3A_186 : i32 to index
    %swap3A_188 = arith.constant 64 : index
    %swap3A_189 = tpu.vector_load %arg7[%swap3A_187, %swap3A_188] {strides = array<i32>} : memref<16x128xf32, #tpu.memory_space<vmem>>, vector<1x16xf32>,
    %swap3A_190 = vector.shape_cast %swap3A_189 : vector<1x16xf32> to vector<16xf32>
    %swap3A_191 = vector.shape_cast %broadcast_in_dim3A_5 : vector<16xf32> to vector<1x16xf32>
    tpu.vector_store %arg7[%swap3A_187, %swap3A_188], %swap3A_191 {strides = array<i32>} : memref<16x128xf32, #tpu.memory_space<vmem>>, vector<1x16xf32>,
    %swap3A_192 = arith.constant 1 : i32
    %swap3A_193 = arith.index_cast %swap3A_192 : i32 to index
    %swap3A_194 = arith.constant 80 : index
    %swap3A_195 = tpu.vector_load %arg7[%swap3A_193, %swap3A_194] {strides = array<i32>} : memref<16x128xf32, #tpu.memory_space<vmem>>, vector<1x16xf32>,
    %swap3A_196 = vector.shape_cast %swap3A_195 : vector<1x16xf32> to vector<16xf32>
    %swap3A_197 = vector.shape_cast %broadcast_in_dim3A_5 : vector<16xf32> to vector<1x16xf32>
    tpu.vector_store %arg7[%swap3A_193, %swap3A_194], %swap3A_197 {strides = array<i32>} : memref<16x128xf32, #tpu.memory_space<vmem>>, vector<1x16xf32>,
    %swap3A_198 = arith.constant 1 : i32
    %swap3A_199 = arith.index_cast %swap3A_198 : i32 to index
    %swap3A_200 = arith.constant 96 : index
    %swap3A_201 = tpu.vector_load %arg7[%swap3A_199, %swap3A_200] {strides = array<i32>} : memref<16x128xf32, #tpu.memory_space<vmem>>, vector<1x16xf32>,
    %swap3A_202 = vector.shape_cast %swap3A_201 : vector<1x16xf32> to vector<16xf32>
    %swap3A_203 = vector.shape_cast %broadcast_in_dim3A_5 : vector<16xf32> to vector<1x16xf32>
    tpu.vector_store %arg7[%swap3A_199, %swap3A_200], %swap3A_203 {strides = array<i32>} : memref<16x128xf32, #tpu.memory_space<vmem>>, vector<1x16xf32>,
    %swap3A_204 = arith.constant 1 : i32
    %swap3A_205 = arith.index_cast %swap3A_204 : i32 to index
    %swap3A_206 = arith.constant 112 : index
    %swap3A_207 = tpu.vector_load %arg7[%swap3A_205, %swap3A_206] {strides = array<i32>} : memref<16x128xf32, #tpu.memory_space<vmem>>, vector<1x16xf32>,
    %swap3A_208 = vector.shape_cast %swap3A_207 : vector<1x16xf32> to vector<16xf32>
    %swap3A_209 = vector.shape_cast %broadcast_in_dim3A_5 : vector<16xf32> to vector<1x16xf32>
    tpu.vector_store %arg7[%swap3A_205, %swap3A_206], %swap3A_209 {strides = array<i32>} : memref<16x128xf32, #tpu.memory_space<vmem>>, vector<1x16xf32>,
    %swap3A_210 = arith.constant 2 : i32
    %swap3A_211 = arith.index_cast %swap3A_210 : i32 to index
    %swap3A_212 = arith.constant 0 : index
    %swap3A_213 = tpu.vector_load %arg7[%swap3A_211, %swap3A_212] {strides = array<i32>} : memref<16x128xf32, #tpu.memory_space<vmem>>, vector<1x16xf32>,
    %swap3A_214 = vector.shape_cast %swap3A_213 : vector<1x16xf32> to vector<16xf32>
    %swap3A_215 = vector.shape_cast %broadcast_in_dim3A_5 : vector<16xf32> to vector<1x16xf32>
    tpu.vector_store %arg7[%swap3A_211, %swap3A_212], %swap3A_215 {strides = array<i32>} : memref<16x128xf32, #tpu.memory_space<vmem>>, vector<1x16xf32>,
    %swap3A_216 = arith.constant 2 : i32
    %swap3A_217 = arith.index_cast %swap3A_216 : i32 to index
    %swap3A_218 = arith.constant 16 : index
    %swap3A_219 = tpu.vector_load %arg7[%swap3A_217, %swap3A_218] {strides = array<i32>} : memref<16x128xf32, #tpu.memory_space<vmem>>, vector<1x16xf32>,
    %swap3A_220 = vector.shape_cast %swap3A_219 : vector<1x16xf32> to vector<16xf32>
    %swap3A_221 = vector.shape_cast %broadcast_in_dim3A_5 : vector<16xf32> to vector<1x16xf32>
    tpu.vector_store %arg7[%swap3A_217, %swap3A_218], %swap3A_221 {strides = array<i32>} : memref<16x128xf32, #tpu.memory_space<vmem>>, vector<1x16xf32>,
    %swap3A_222 = arith.constant 2 : i32
    %swap3A_223 = arith.index_cast %swap3A_222 : i32 to index
    %swap3A_224 = arith.constant 32 : index
    %swap3A_225 = tpu.vector_load %arg7[%swap3A_223, %swap3A_224] {strides = array<i32>} : memref<16x128xf32, #tpu.memory_space<vmem>>, vector<1x16xf32>,
    %swap3A_226 = vector.shape_cast %swap3A_225 : vector<1x16xf32> to vector<16xf32>
    %swap3A_227 = vector.shape_cast %broadcast_in_dim3A_5 : vector<16xf32> to vector<1x16xf32>
    tpu.vector_store %arg7[%swap3A_223, %swap3A_224], %swap3A_227 {strides = array<i32>} : memref<16x128xf32, #tpu.memory_space<vmem>>, vector<1x16xf32>,
    %swap3A_228 = arith.constant 2 : i32
    %swap3A_229 = arith.index_cast %swap3A_228 : i32 to index
    %swap3A_230 = arith.constant 48 : index
    %swap3A_231 = tpu.vector_load %arg7[%swap3A_229, %swap3A_230] {strides = array<i32>} : memref<16x128xf32, #tpu.memory_space<vmem>>, vector<1x16xf32>,
    %swap3A_232 = vector.shape_cast %swap3A_231 : vector<1x16xf32> to vector<16xf32>
    %swap3A_233 = vector.shape_cast %broadcast_in_dim3A_5 : vector<16xf32> to vector<1x16xf32>
    tpu.vector_store %arg7[%swap3A_229, %swap3A_230], %swap3A_233 {strides = array<i32>} : memref<16x128xf32, #tpu.memory_space<vmem>>, vector<1x16xf32>,
    %swap3A_234 = arith.constant 2 : i32
    %swap3A_235 = arith.index_cast %swap3A_234 : i32 to index
    %swap3A_236 = arith.constant 64 : index
    %swap3A_237 = tpu.vector_load %arg7[%swap3A_235, %swap3A_236] {strides = array<i32>} : memref<16x128xf32, #tpu.memory_space<vmem>>, vector<1x16xf32>,
    %swap3A_238 = vector.shape_cast %swap3A_237 : vector<1x16xf32> to vector<16xf32>
    %swap3A_239 = vector.shape_cast %broadcast_in_dim3A_5 : vector<16xf32> to vector<1x16xf32>
    tpu.vector_store %arg7[%swap3A_235, %swap3A_236], %swap3A_239 {strides = array<i32>} : memref<16x128xf32, #tpu.memory_space<vmem>>, vector<1x16xf32>,
    %swap3A_240 = arith.constant 2 : i32
    %swap3A_241 = arith.index_cast %swap3A_240 : i32 to index
    %swap3A_242 = arith.constant 80 : index
    %swap3A_243 = tpu.vector_load %arg7[%swap3A_241, %swap3A_242] {strides = array<i32>} : memref<16x128xf32, #tpu.memory_space<vmem>>, vector<1x16xf32>,
    %swap3A_244 = vector.shape_cast %swap3A_243 : vector<1x16xf32> to vector<16xf32>
    %swap3A_245 = vector.shape_cast %broadcast_in_dim3A_5 : vector<16xf32> to vector<1x16xf32>
    tpu.vector_store %arg7[%swap3A_241, %swap3A_242], %swap3A_245 {strides = array<i32>} : memref<16x128xf32, #tpu.memory_space<vmem>>, vector<1x16xf32>,
    %swap3A_246 = arith.constant 2 : i32
    %swap3A_247 = arith.index_cast %swap3A_246 : i32 to index
    %swap3A_248 = arith.constant 96 : index
    %swap3A_249 = tpu.vector_load %arg7[%swap3A_247, %swap3A_248] {strides = array<i32>} : memref<16x128xf32, #tpu.memory_space<vmem>>, vector<1x16xf32>,
    %swap3A_250 = vector.shape_cast %swap3A_249 : vector<1x16xf32> to vector<16xf32>
    %swap3A_251 = vector.shape_cast %broadcast_in_dim3A_5 : vector<16xf32> to vector<1x16xf32>
    tpu.vector_store %arg7[%swap3A_247, %swap3A_248], %swap3A_251 {strides = array<i32>} : memref<16x128xf32, #tpu.memory_space<vmem>>, vector<1x16xf32>,
    %swap3A_252 = arith.constant 2 : i32
    %swap3A_253 = arith.index_cast %swap3A_252 : i32 to index
    %swap3A_254 = arith.constant 112 : index
    %swap3A_255 = tpu.vector_load %arg7[%swap3A_253, %swap3A_254] {strides = array<i32>} : memref<16x128xf32, #tpu.memory_space<vmem>>, vector<1x16xf32>,
    %swap3A_256 = vector.shape_cast %swap3A_255 : vector<1x16xf32> to vector<16xf32>
    %swap3A_257 = vector.shape_cast %broadcast_in_dim3A_5 : vector<16xf32> to vector<1x16xf32>
    tpu.vector_store %arg7[%swap3A_253, %swap3A_254], %swap3A_257 {strides = array<i32>} : memref<16x128xf32, #tpu.memory_space<vmem>>, vector<1x16xf32>,
    %swap3A_258 = arith.constant 3 : i32
    %swap3A_259 = arith.index_cast %swap3A_258 : i32 to index
    %swap3A_260 = arith.constant 0 : index
    %swap3A_261 = tpu.vector_load %arg7[%swap3A_259, %swap3A_260] {strides = array<i32>} : memref<16x128xf32, #tpu.memory_space<vmem>>, vector<1x16xf32>,
    %swap3A_262 = vector.shape_cast %swap3A_261 : vector<1x16xf32> to vector<16xf32>
    %swap3A_263 = vector.shape_cast %broadcast_in_dim3A_5 : vector<16xf32> to vector<1x16xf32>
    tpu.vector_store %arg7[%swap3A_259, %swap3A_260], %swap3A_263 {strides = array<i32>} : memref<16x128xf32, #tpu.memory_space<vmem>>, vector<1x16xf32>,
    %swap3A_264 = arith.constant 3 : i32
    %swap3A_265 = arith.index_cast %swap3A_264 : i32 to index
    %swap3A_266 = arith.constant 16 : index
    %swap3A_267 = tpu.vector_load %arg7[%swap3A_265, %swap3A_266] {strides = array<i32>} : memref<16x128xf32, #tpu.memory_space<vmem>>, vector<1x16xf32>,
    %swap3A_268 = vector.shape_cast %swap3A_267 : vector<1x16xf32> to vector<16xf32>
    %swap3A_269 = vector.shape_cast %broadcast_in_dim3A_5 : vector<16xf32> to vector<1x16xf32>
    tpu.vector_store %arg7[%swap3A_265, %swap3A_266], %swap3A_269 {strides = array<i32>} : memref<16x128xf32, #tpu.memory_space<vmem>>, vector<1x16xf32>,
    %swap3A_270 = arith.constant 3 : i32
    %swap3A_271 = arith.index_cast %swap3A_270 : i32 to index
    %swap3A_272 = arith.constant 32 : index
    %swap3A_273 = tpu.vector_load %arg7[%swap3A_271, %swap3A_272] {strides = array<i32>} : memref<16x128xf32, #tpu.memory_space<vmem>>, vector<1x16xf32>,
    %swap3A_274 = vector.shape_cast %swap3A_273 : vector<1x16xf32> to vector<16xf32>
    %swap3A_275 = vector.shape_cast %broadcast_in_dim3A_5 : vector<16xf32> to vector<1x16xf32>
    tpu.vector_store %arg7[%swap3A_271, %swap3A_272], %swap3A_275 {strides = array<i32>} : memref<16x128xf32, #tpu.memory_space<vmem>>, vector<1x16xf32>,
    %swap3A_276 = arith.constant 3 : i32
    %swap3A_277 = arith.index_cast %swap3A_276 : i32 to index
    %swap3A_278 = arith.constant 48 : index
    %swap3A_279 = tpu.vector_load %arg7[%swap3A_277, %swap3A_278] {strides = array<i32>} : memref<16x128xf32, #tpu.memory_space<vmem>>, vector<1x16xf32>,
    %swap3A_280 = vector.shape_cast %swap3A_279 : vector<1x16xf32> to vector<16xf32>
    %swap3A_281 = vector.shape_cast %broadcast_in_dim3A_5 : vector<16xf32> to vector<1x16xf32>
    tpu.vector_store %arg7[%swap3A_277, %swap3A_278], %swap3A_281 {strides = array<i32>} : memref<16x128xf32, #tpu.memory_space<vmem>>, vector<1x16xf32>,
    %swap3A_282 = arith.constant 3 : i32
    %swap3A_283 = arith.index_cast %swap3A_282 : i32 to index
    %swap3A_284 = arith.constant 64 : index
    %swap3A_285 = tpu.vector_load %arg7[%swap3A_283, %swap3A_284] {strides = array<i32>} : memref<16x128xf32, #tpu.memory_space<vmem>>, vector<1x16xf32>,
    %swap3A_286 = vector.shape_cast %swap3A_285 : vector<1x16xf32> to vector<16xf32>
    %swap3A_287 = vector.shape_cast %broadcast_in_dim3A_5 : vector<16xf32> to vector<1x16xf32>
    tpu.vector_store %arg7[%swap3A_283, %swap3A_284], %swap3A_287 {strides = array<i32>} : memref<16x128xf32, #tpu.memory_space<vmem>>, vector<1x16xf32>,
    %swap3A_288 = arith.constant 3 : i32
    %swap3A_289 = arith.index_cast %swap3A_288 : i32 to index
    %swap3A_290 = arith.constant 80 : index
    %swap3A_291 = tpu.vector_load %arg7[%swap3A_289, %swap3A_290] {strides = array<i32>} : memref<16x128xf32, #tpu.memory_space<vmem>>, vector<1x16xf32>,
    %swap3A_292 = vector.shape_cast %swap3A_291 : vector<1x16xf32> to vector<16xf32>
    %swap3A_293 = vector.shape_cast %broadcast_in_dim3A_5 : vector<16xf32> to vector<1x16xf32>
    tpu.vector_store %arg7[%swap3A_289, %swap3A_290], %swap3A_293 {strides = array<i32>} : memref<16x128xf32, #tpu.memory_space<vmem>>, vector<1x16xf32>,
    %swap3A_294 = arith.constant 3 : i32
    %swap3A_295 = arith.index_cast %swap3A_294 : i32 to index
    %swap3A_296 = arith.constant 96 : index
    %swap3A_297 = tpu.vector_load %arg7[%swap3A_295, %swap3A_296] {strides = array<i32>} : memref<16x128xf32, #tpu.memory_space<vmem>>, vector<1x16xf32>,
    %swap3A_298 = vector.shape_cast %swap3A_297 : vector<1x16xf32> to vector<16xf32>
    %swap3A_299 = vector.shape_cast %broadcast_in_dim3A_5 : vector<16xf32> to vector<1x16xf32>
    tpu.vector_store %arg7[%swap3A_295, %swap3A_296], %swap3A_299 {strides = array<i32>} : memref<16x128xf32, #tpu.memory_space<vmem>>, vector<1x16xf32>,
    %swap3A_300 = arith.constant 3 : i32
    %swap3A_301 = arith.index_cast %swap3A_300 : i32 to index
    %swap3A_302 = arith.constant 112 : index
    %swap3A_303 = tpu.vector_load %arg7[%swap3A_301, %swap3A_302] {strides = array<i32>} : memref<16x128xf32, #tpu.memory_space<vmem>>, vector<1x16xf32>,
    %swap3A_304 = vector.shape_cast %swap3A_303 : vector<1x16xf32> to vector<16xf32>
    %swap3A_305 = vector.shape_cast %broadcast_in_dim3A_5 : vector<16xf32> to vector<1x16xf32>
    tpu.vector_store %arg7[%swap3A_301, %swap3A_302], %swap3A_305 {strides = array<i32>} : memref<16x128xf32, #tpu.memory_space<vmem>>, vector<1x16xf32>,
    %swap3A_306 = arith.constant 4 : i32
    %swap3A_307 = arith.index_cast %swap3A_306 : i32 to index
    %swap3A_308 = arith.constant 0 : index
    %swap3A_309 = tpu.vector_load %arg7[%swap3A_307, %swap3A_308] {strides = array<i32>} : memref<16x128xf32, #tpu.memory_space<vmem>>, vector<1x16xf32>,
    %swap3A_310 = vector.shape_cast %swap3A_309 : vector<1x16xf32> to vector<16xf32>
    %swap3A_311 = vector.shape_cast %broadcast_in_dim3A_5 : vector<16xf32> to vector<1x16xf32>
    tpu.vector_store %arg7[%swap3A_307, %swap3A_308], %swap3A_311 {strides = array<i32>} : memref<16x128xf32, #tpu.memory_space<vmem>>, vector<1x16xf32>,
    %swap3A_312 = arith.constant 4 : i32
    %swap3A_313 = arith.index_cast %swap3A_312 : i32 to index
    %swap3A_314 = arith.constant 16 : index
    %swap3A_315 = tpu.vector_load %arg7[%swap3A_313, %swap3A_314] {strides = array<i32>} : memref<16x128xf32, #tpu.memory_space<vmem>>, vector<1x16xf32>,
    %swap3A_316 = vector.shape_cast %swap3A_315 : vector<1x16xf32> to vector<16xf32>
    %swap3A_317 = vector.shape_cast %broadcast_in_dim3A_5 : vector<16xf32> to vector<1x16xf32>
    tpu.vector_store %arg7[%swap3A_313, %swap3A_314], %swap3A_317 {strides = array<i32>} : memref<16x128xf32, #tpu.memory_space<vmem>>, vector<1x16xf32>,
    %swap3A_318 = arith.constant 4 : i32
    %swap3A_319 = arith.index_cast %swap3A_318 : i32 to index
    %swap3A_320 = arith.constant 32 : index
    %swap3A_321 = tpu.vector_load %arg7[%swap3A_319, %swap3A_320] {strides = array<i32>} : memref<16x128xf32, #tpu.memory_space<vmem>>, vector<1x16xf32>,
    %swap3A_322 = vector.shape_cast %swap3A_321 : vector<1x16xf32> to vector<16xf32>
    %swap3A_323 = vector.shape_cast %broadcast_in_dim3A_5 : vector<16xf32> to vector<1x16xf32>
    tpu.vector_store %arg7[%swap3A_319, %swap3A_320], %swap3A_323 {strides = array<i32>} : memref<16x128xf32, #tpu.memory_space<vmem>>, vector<1x16xf32>,
    %swap3A_324 = arith.constant 4 : i32
    %swap3A_325 = arith.index_cast %swap3A_324 : i32 to index
    %swap3A_326 = arith.constant 48 : index
    %swap3A_327 = tpu.vector_load %arg7[%swap3A_325, %swap3A_326] {strides = array<i32>} : memref<16x128xf32, #tpu.memory_space<vmem>>, vector<1x16xf32>,
    %swap3A_328 = vector.shape_cast %swap3A_327 : vector<1x16xf32> to vector<16xf32>
    %swap3A_329 = vector.shape_cast %broadcast_in_dim3A_5 : vector<16xf32> to vector<1x16xf32>
    tpu.vector_store %arg7[%swap3A_325, %swap3A_326], %swap3A_329 {strides = array<i32>} : memref<16x128xf32, #tpu.memory_space<vmem>>, vector<1x16xf32>,
    %swap3A_330 = arith.constant 4 : i32
    %swap3A_331 = arith.index_cast %swap3A_330 : i32 to index
    %swap3A_332 = arith.constant 64 : index
    %swap3A_333 = tpu.vector_load %arg7[%swap3A_331, %swap3A_332] {strides = array<i32>} : memref<16x128xf32, #tpu.memory_space<vmem>>, vector<1x16xf32>,
    %swap3A_334 = vector.shape_cast %swap3A_333 : vector<1x16xf32> to vector<16xf32>
    %swap3A_335 = vector.shape_cast %broadcast_in_dim3A_5 : vector<16xf32> to vector<1x16xf32>
    tpu.vector_store %arg7[%swap3A_331, %swap3A_332], %swap3A_335 {strides = array<i32>} : memref<16x128xf32, #tpu.memory_space<vmem>>, vector<1x16xf32>,
    %swap3A_336 = arith.constant 4 : i32
    %swap3A_337 = arith.index_cast %swap3A_336 : i32 to index
    %swap3A_338 = arith.constant 80 : index
    %swap3A_339 = tpu.vector_load %arg7[%swap3A_337, %swap3A_338] {strides = array<i32>} : memref<16x128xf32, #tpu.memory_space<vmem>>, vector<1x16xf32>,
    %swap3A_340 = vector.shape_cast %swap3A_339 : vector<1x16xf32> to vector<16xf32>
    %swap3A_341 = vector.shape_cast %broadcast_in_dim3A_5 : vector<16xf32> to vector<1x16xf32>
    tpu.vector_store %arg7[%swap3A_337, %swap3A_338], %swap3A_341 {strides = array<i32>} : memref<16x128xf32, #tpu.memory_space<vmem>>, vector<1x16xf32>,
    %swap3A_342 = arith.constant 4 : i32
    %swap3A_343 = arith.index_cast %swap3A_342 : i32 to index
    %swap3A_344 = arith.constant 96 : index
    %swap3A_345 = tpu.vector_load %arg7[%swap3A_343, %swap3A_344] {strides = array<i32>} : memref<16x128xf32, #tpu.memory_space<vmem>>, vector<1x16xf32>,
    %swap3A_346 = vector.shape_cast %swap3A_345 : vector<1x16xf32> to vector<16xf32>
    %swap3A_347 = vector.shape_cast %broadcast_in_dim3A_5 : vector<16xf32> to vector<1x16xf32>
    tpu.vector_store %arg7[%swap3A_343, %swap3A_344], %swap3A_347 {strides = array<i32>} : memref<16x128xf32, #tpu.memory_space<vmem>>, vector<1x16xf32>,
    %swap3A_348 = arith.constant 4 : i32
    %swap3A_349 = arith.index_cast %swap3A_348 : i32 to index
    %swap3A_350 = arith.constant 112 : index
    %swap3A_351 = tpu.vector_load %arg7[%swap3A_349, %swap3A_350] {strides = array<i32>} : memref<16x128xf32, #tpu.memory_space<vmem>>, vector<1x16xf32>,
    %swap3A_352 = vector.shape_cast %swap3A_351 : vector<1x16xf32> to vector<16xf32>
    %swap3A_353 = vector.shape_cast %broadcast_in_dim3A_5 : vector<16xf32> to vector<1x16xf32>
    tpu.vector_store %arg7[%swap3A_349, %swap3A_350], %swap3A_353 {strides = array<i32>} : memref<16x128xf32, #tpu.memory_space<vmem>>, vector<1x16xf32>,
    %swap3A_354 = arith.constant 5 : i32
    %swap3A_355 = arith.index_cast %swap3A_354 : i32 to index
    %swap3A_356 = arith.constant 0 : index
    %swap3A_357 = tpu.vector_load %arg7[%swap3A_355, %swap3A_356] {strides = array<i32>} : memref<16x128xf32, #tpu.memory_space<vmem>>, vector<1x16xf32>,
    %swap3A_358 = vector.shape_cast %swap3A_357 : vector<1x16xf32> to vector<16xf32>
    %swap3A_359 = vector.shape_cast %broadcast_in_dim3A_5 : vector<16xf32> to vector<1x16xf32>
    tpu.vector_store %arg7[%swap3A_355, %swap3A_356], %swap3A_359 {strides = array<i32>} : memref<16x128xf32, #tpu.memory_space<vmem>>, vector<1x16xf32>,
    %swap3A_360 = arith.constant 5 : i32
    %swap3A_361 = arith.index_cast %swap3A_360 : i32 to index
    %swap3A_362 = arith.constant 16 : index
    %swap3A_363 = tpu.vector_load %arg7[%swap3A_361, %swap3A_362] {strides = array<i32>} : memref<16x128xf32, #tpu.memory_space<vmem>>, vector<1x16xf32>,
    %swap3A_364 = vector.shape_cast %swap3A_363 : vector<1x16xf32> to vector<16xf32>
    %swap3A_365 = vector.shape_cast %broadcast_in_dim3A_5 : vector<16xf32> to vector<1x16xf32>
    tpu.vector_store %arg7[%swap3A_361, %swap3A_362], %swap3A_365 {strides = array<i32>} : memref<16x128xf32, #tpu.memory_space<vmem>>, vector<1x16xf32>,
    %swap3A_366 = arith.constant 5 : i32
    %swap3A_367 = arith.index_cast %swap3A_366 : i32 to index
    %swap3A_368 = arith.constant 32 : index
    %swap3A_369 = tpu.vector_load %arg7[%swap3A_367, %swap3A_368] {strides = array<i32>} : memref<16x128xf32, #tpu.memory_space<vmem>>, vector<1x16xf32>,
    %swap3A_370 = vector.shape_cast %swap3A_369 : vector<1x16xf32> to vector<16xf32>
    %swap3A_371 = vector.shape_cast %broadcast_in_dim3A_5 : vector<16xf32> to vector<1x16xf32>
    tpu.vector_store %arg7[%swap3A_367, %swap3A_368], %swap3A_371 {strides = array<i32>} : memref<16x128xf32, #tpu.memory_space<vmem>>, vector<1x16xf32>,
    %swap3A_372 = arith.constant 5 : i32
    %swap3A_373 = arith.index_cast %swap3A_372 : i32 to index
    %swap3A_374 = arith.constant 48 : index
    %swap3A_375 = tpu.vector_load %arg7[%swap3A_373, %swap3A_374] {strides = array<i32>} : memref<16x128xf32, #tpu.memory_space<vmem>>, vector<1x16xf32>,
    %swap3A_376 = vector.shape_cast %swap3A_375 : vector<1x16xf32> to vector<16xf32>
    %swap3A_377 = vector.shape_cast %broadcast_in_dim3A_5 : vector<16xf32> to vector<1x16xf32>
    tpu.vector_store %arg7[%swap3A_373, %swap3A_374], %swap3A_377 {strides = array<i32>} : memref<16x128xf32, #tpu.memory_space<vmem>>, vector<1x16xf32>,
    %swap3A_378 = arith.constant 5 : i32
    %swap3A_379 = arith.index_cast %swap3A_378 : i32 to index
    %swap3A_380 = arith.constant 64 : index
    %swap3A_381 = tpu.vector_load %arg7[%swap3A_379, %swap3A_380] {strides = array<i32>} : memref<16x128xf32, #tpu.memory_space<vmem>>, vector<1x16xf32>,
    %swap3A_382 = vector.shape_cast %swap3A_381 : vector<1x16xf32> to vector<16xf32>
    %swap3A_383 = vector.shape_cast %broadcast_in_dim3A_5 : vector<16xf32> to vector<1x16xf32>
    tpu.vector_store %arg7[%swap3A_379, %swap3A_380], %swap3A_383 {strides = array<i32>} : memref<16x128xf32, #tpu.memory_space<vmem>>, vector<1x16xf32>,
    %swap3A_384 = arith.constant 5 : i32
    %swap3A_385 = arith.index_cast %swap3A_384 : i32 to index
    %swap3A_386 = arith.constant 80 : index
    %swap3A_387 = tpu.vector_load %arg7[%swap3A_385, %swap3A_386] {strides = array<i32>} : memref<16x128xf32, #tpu.memory_space<vmem>>, vector<1x16xf32>,
    %swap3A_388 = vector.shape_cast %swap3A_387 : vector<1x16xf32> to vector<16xf32>
    %swap3A_389 = vector.shape_cast %broadcast_in_dim3A_5 : vector<16xf32> to vector<1x16xf32>
    tpu.vector_store %arg7[%swap3A_385, %swap3A_386], %swap3A_389 {strides = array<i32>} : memref<16x128xf32, #tpu.memory_space<vmem>>, vector<1x16xf32>,
    %swap3A_390 = arith.constant 5 : i32
    %swap3A_391 = arith.index_cast %swap3A_390 : i32 to index
    %swap3A_392 = arith.constant 96 : index
    %swap3A_393 = tpu.vector_load %arg7[%swap3A_391, %swap3A_392] {strides = array<i32>} : memref<16x128xf32, #tpu.memory_space<vmem>>, vector<1x16xf32>,
    %swap3A_394 = vector.shape_cast %swap3A_393 : vector<1x16xf32> to vector<16xf32>
    %swap3A_395 = vector.shape_cast %broadcast_in_dim3A_5 : vector<16xf32> to vector<1x16xf32>
    tpu.vector_store %arg7[%swap3A_391, %swap3A_392], %swap3A_395 {strides = array<i32>} : memref<16x128xf32, #tpu.memory_space<vmem>>, vector<1x16xf32>,
    %swap3A_396 = arith.constant 5 : i32
    %swap3A_397 = arith.index_cast %swap3A_396 : i32 to index
    %swap3A_398 = arith.constant 112 : index
    %swap3A_399 = tpu.vector_load %arg7[%swap3A_397, %swap3A_398] {strides = array<i32>} : memref<16x128xf32, #tpu.memory_space<vmem>>, vector<1x16xf32>,
    %swap3A_400 = vector.shape_cast %swap3A_399 : vector<1x16xf32> to vector<16xf32>
    %swap3A_401 = vector.shape_cast %broadcast_in_dim3A_5 : vector<16xf32> to vector<1x16xf32>
    tpu.vector_store %arg7[%swap3A_397, %swap3A_398], %swap3A_401 {strides = array<i32>} : memref<16x128xf32, #tpu.memory_space<vmem>>, vector<1x16xf32>,
    %swap3A_402 = arith.constant 6 : i32
    %swap3A_403 = arith.index_cast %swap3A_402 : i32 to index
    %swap3A_404 = arith.constant 0 : index
    %swap3A_405 = tpu.vector_load %arg7[%swap3A_403, %swap3A_404] {strides = array<i32>} : memref<16x128xf32, #tpu.memory_space<vmem>>, vector<1x16xf32>,
    %swap3A_406 = vector.shape_cast %swap3A_405 : vector<1x16xf32> to vector<16xf32>
    %swap3A_407 = vector.shape_cast %broadcast_in_dim3A_5 : vector<16xf32> to vector<1x16xf32>
    tpu.vector_store %arg7[%swap3A_403, %swap3A_404], %swap3A_407 {strides = array<i32>} : memref<16x128xf32, #tpu.memory_space<vmem>>, vector<1x16xf32>,
    %swap3A_408 = arith.constant 6 : i32
    %swap3A_409 = arith.index_cast %swap3A_408 : i32 to index
    %swap3A_410 = arith.constant 16 : index
    %swap3A_411 = tpu.vector_load %arg7[%swap3A_409, %swap3A_410] {strides = array<i32>} : memref<16x128xf32, #tpu.memory_space<vmem>>, vector<1x16xf32>,
    %swap3A_412 = vector.shape_cast %swap3A_411 : vector<1x16xf32> to vector<16xf32>
    %swap3A_413 = vector.shape_cast %broadcast_in_dim3A_5 : vector<16xf32> to vector<1x16xf32>
    tpu.vector_store %arg7[%swap3A_409, %swap3A_410], %swap3A_413 {strides = array<i32>} : memref<16x128xf32, #tpu.memory_space<vmem>>, vector<1x16xf32>,
    %swap3A_414 = arith.constant 6 : i32
    %swap3A_415 = arith.index_cast %swap3A_414 : i32 to index
    %swap3A_416 = arith.constant 32 : index
    %swap3A_417 = tpu.vector_load %arg7[%swap3A_415, %swap3A_416] {strides = array<i32>} : memref<16x128xf32, #tpu.memory_space<vmem>>, vector<1x16xf32>,
    %swap3A_418 = vector.shape_cast %swap3A_417 : vector<1x16xf32> to vector<16xf32>
    %swap3A_419 = vector.shape_cast %broadcast_in_dim3A_5 : vector<16xf32> to vector<1x16xf32>
    tpu.vector_store %arg7[%swap3A_415, %swap3A_416], %swap3A_419 {strides = array<i32>} : memref<16x128xf32, #tpu.memory_space<vmem>>, vector<1x16xf32>,
    %swap3A_420 = arith.constant 6 : i32
    %swap3A_421 = arith.index_cast %swap3A_420 : i32 to index
    %swap3A_422 = arith.constant 48 : index
    %swap3A_423 = tpu.vector_load %arg7[%swap3A_421, %swap3A_422] {strides = array<i32>} : memref<16x128xf32, #tpu.memory_space<vmem>>, vector<1x16xf32>,
    %swap3A_424 = vector.shape_cast %swap3A_423 : vector<1x16xf32> to vector<16xf32>
    %swap3A_425 = vector.shape_cast %broadcast_in_dim3A_5 : vector<16xf32> to vector<1x16xf32>
    tpu.vector_store %arg7[%swap3A_421, %swap3A_422], %swap3A_425 {strides = array<i32>} : memref<16x128xf32, #tpu.memory_space<vmem>>, vector<1x16xf32>,
    %swap3A_426 = arith.constant 6 : i32
    %swap3A_427 = arith.index_cast %swap3A_426 : i32 to index
    %swap3A_428 = arith.constant 64 : index
    %swap3A_429 = tpu.vector_load %arg7[%swap3A_427, %swap3A_428] {strides = array<i32>} : memref<16x128xf32, #tpu.memory_space<vmem>>, vector<1x16xf32>,
    %swap3A_430 = vector.shape_cast %swap3A_429 : vector<1x16xf32> to vector<16xf32>
    %swap3A_431 = vector.shape_cast %broadcast_in_dim3A_5 : vector<16xf32> to vector<1x16xf32>
    tpu.vector_store %arg7[%swap3A_427, %swap3A_428], %swap3A_431 {strides = array<i32>} : memref<16x128xf32, #tpu.memory_space<vmem>>, vector<1x16xf32>,
    %swap3A_432 = arith.constant 6 : i32
    %swap3A_433 = arith.index_cast %swap3A_432 : i32 to index
    %swap3A_434 = arith.constant 80 : index
    %swap3A_435 = tpu.vector_load %arg7[%swap3A_433, %swap3A_434] {strides = array<i32>} : memref<16x128xf32, #tpu.memory_space<vmem>>, vector<1x16xf32>,
    %swap3A_436 = vector.shape_cast %swap3A_435 : vector<1x16xf32> to vector<16xf32>
    %swap3A_437 = vector.shape_cast %broadcast_in_dim3A_5 : vector<16xf32> to vector<1x16xf32>
    tpu.vector_store %arg7[%swap3A_433, %swap3A_434], %swap3A_437 {strides = array<i32>} : memref<16x128xf32, #tpu.memory_space<vmem>>, vector<1x16xf32>,
    %swap3A_438 = arith.constant 6 : i32
    %swap3A_439 = arith.index_cast %swap3A_438 : i32 to index
    %swap3A_440 = arith.constant 96 : index
    %swap3A_441 = tpu.vector_load %arg7[%swap3A_439, %swap3A_440] {strides = array<i32>} : memref<16x128xf32, #tpu.memory_space<vmem>>, vector<1x16xf32>,
    %swap3A_442 = vector.shape_cast %swap3A_441 : vector<1x16xf32> to vector<16xf32>
    %swap3A_443 = vector.shape_cast %broadcast_in_dim3A_5 : vector<16xf32> to vector<1x16xf32>
    tpu.vector_store %arg7[%swap3A_439, %swap3A_440], %swap3A_443 {strides = array<i32>} : memref<16x128xf32, #tpu.memory_space<vmem>>, vector<1x16xf32>,
    %swap3A_444 = arith.constant 6 : i32
    %swap3A_445 = arith.index_cast %swap3A_444 : i32 to index
    %swap3A_446 = arith.constant 112 : index
    %swap3A_447 = tpu.vector_load %arg7[%swap3A_445, %swap3A_446] {strides = array<i32>} : memref<16x128xf32, #tpu.memory_space<vmem>>, vector<1x16xf32>,
    %swap3A_448 = vector.shape_cast %swap3A_447 : vector<1x16xf32> to vector<16xf32>
    %swap3A_449 = vector.shape_cast %broadcast_in_dim3A_5 : vector<16xf32> to vector<1x16xf32>
    tpu.vector_store %arg7[%swap3A_445, %swap3A_446], %swap3A_449 {strides = array<i32>} : memref<16x128xf32, #tpu.memory_space<vmem>>, vector<1x16xf32>,
    %swap3A_450 = arith.constant 7 : i32
    %swap3A_451 = arith.index_cast %swap3A_450 : i32 to index
    %swap3A_452 = arith.constant 0 : index
    %swap3A_453 = tpu.vector_load %arg7[%swap3A_451, %swap3A_452] {strides = array<i32>} : memref<16x128xf32, #tpu.memory_space<vmem>>, vector<1x16xf32>,
    %swap3A_454 = vector.shape_cast %swap3A_453 : vector<1x16xf32> to vector<16xf32>
    %swap3A_455 = vector.shape_cast %broadcast_in_dim3A_5 : vector<16xf32> to vector<1x16xf32>
    tpu.vector_store %arg7[%swap3A_451, %swap3A_452], %swap3A_455 {strides = array<i32>} : memref<16x128xf32, #tpu.memory_space<vmem>>, vector<1x16xf32>,
    %swap3A_456 = arith.constant 7 : i32
    %swap3A_457 = arith.index_cast %swap3A_456 : i32 to index
    %swap3A_458 = arith.constant 16 : index
    %swap3A_459 = tpu.vector_load %arg7[%swap3A_457, %swap3A_458] {strides = array<i32>} : memref<16x128xf32, #tpu.memory_space<vmem>>, vector<1x16xf32>,
    %swap3A_460 = vector.shape_cast %swap3A_459 : vector<1x16xf32> to vector<16xf32>
    %swap3A_461 = vector.shape_cast %broadcast_in_dim3A_5 : vector<16xf32> to vector<1x16xf32>
    tpu.vector_store %arg7[%swap3A_457, %swap3A_458], %swap3A_461 {strides = array<i32>} : memref<16x128xf32, #tpu.memory_space<vmem>>, vector<1x16xf32>,
    %swap3A_462 = arith.constant 7 : i32
    %swap3A_463 = arith.index_cast %swap3A_462 : i32 to index
    %swap3A_464 = arith.constant 32 : index
    %swap3A_465 = tpu.vector_load %arg7[%swap3A_463, %swap3A_464] {strides = array<i32>} : memref<16x128xf32, #tpu.memory_space<vmem>>, vector<1x16xf32>,
    %swap3A_466 = vector.shape_cast %swap3A_465 : vector<1x16xf32> to vector<16xf32>
    %swap3A_467 = vector.shape_cast %broadcast_in_dim3A_5 : vector<16xf32> to vector<1x16xf32>
    tpu.vector_store %arg7[%swap3A_463, %swap3A_464], %swap3A_467 {strides = array<i32>} : memref<16x128xf32, #tpu.memory_space<vmem>>, vector<1x16xf32>,
    %swap3A_468 = arith.constant 7 : i32
    %swap3A_469 = arith.index_cast %swap3A_468 : i32 to index
    %swap3A_470 = arith.constant 48 : index
    %swap3A_471 = tpu.vector_load %arg7[%swap3A_469, %swap3A_470] {strides = array<i32>} : memref<16x128xf32, #tpu.memory_space<vmem>>, vector<1x16xf32>,
    %swap3A_472 = vector.shape_cast %swap3A_471 : vector<1x16xf32> to vector<16xf32>
    %swap3A_473 = vector.shape_cast %broadcast_in_dim3A_5 : vector<16xf32> to vector<1x16xf32>
    tpu.vector_store %arg7[%swap3A_469, %swap3A_470], %swap3A_473 {strides = array<i32>} : memref<16x128xf32, #tpu.memory_space<vmem>>, vector<1x16xf32>,
    %swap3A_474 = arith.constant 7 : i32
    %swap3A_475 = arith.index_cast %swap3A_474 : i32 to index
    %swap3A_476 = arith.constant 64 : index
    %swap3A_477 = tpu.vector_load %arg7[%swap3A_475, %swap3A_476] {strides = array<i32>} : memref<16x128xf32, #tpu.memory_space<vmem>>, vector<1x16xf32>,
    %swap3A_478 = vector.shape_cast %swap3A_477 : vector<1x16xf32> to vector<16xf32>
    %swap3A_479 = vector.shape_cast %broadcast_in_dim3A_5 : vector<16xf32> to vector<1x16xf32>
    tpu.vector_store %arg7[%swap3A_475, %swap3A_476], %swap3A_479 {strides = array<i32>} : memref<16x128xf32, #tpu.memory_space<vmem>>, vector<1x16xf32>,
    %swap3A_480 = arith.constant 7 : i32
    %swap3A_481 = arith.index_cast %swap3A_480 : i32 to index
    %swap3A_482 = arith.constant 80 : index
    %swap3A_483 = tpu.vector_load %arg7[%swap3A_481, %swap3A_482] {strides = array<i32>} : memref<16x128xf32, #tpu.memory_space<vmem>>, vector<1x16xf32>,
    %swap3A_484 = vector.shape_cast %swap3A_483 : vector<1x16xf32> to vector<16xf32>
    %swap3A_485 = vector.shape_cast %broadcast_in_dim3A_5 : vector<16xf32> to vector<1x16xf32>
    tpu.vector_store %arg7[%swap3A_481, %swap3A_482], %swap3A_485 {strides = array<i32>} : memref<16x128xf32, #tpu.memory_space<vmem>>, vector<1x16xf32>,
    %swap3A_486 = arith.constant 7 : i32
    %swap3A_487 = arith.index_cast %swap3A_486 : i32 to index
    %swap3A_488 = arith.constant 96 : index
    %swap3A_489 = tpu.vector_load %arg7[%swap3A_487, %swap3A_488] {strides = array<i32>} : memref<16x128xf32, #tpu.memory_space<vmem>>, vector<1x16xf32>,
    %swap3A_490 = vector.shape_cast %swap3A_489 : vector<1x16xf32> to vector<16xf32>
    %swap3A_491 = vector.shape_cast %broadcast_in_dim3A_5 : vector<16xf32> to vector<1x16xf32>
    tpu.vector_store %arg7[%swap3A_487, %swap3A_488], %swap3A_491 {strides = array<i32>} : memref<16x128xf32, #tpu.memory_space<vmem>>, vector<1x16xf32>,
    %swap3A_492 = arith.constant 7 : i32
    %swap3A_493 = arith.index_cast %swap3A_492 : i32 to index
    %swap3A_494 = arith.constant 112 : index
    %swap3A_495 = tpu.vector_load %arg7[%swap3A_493, %swap3A_494] {strides = array<i32>} : memref<16x128xf32, #tpu.memory_space<vmem>>, vector<1x16xf32>,
    %swap3A_496 = vector.shape_cast %swap3A_495 : vector<1x16xf32> to vector<16xf32>
    %swap3A_497 = vector.shape_cast %broadcast_in_dim3A_5 : vector<16xf32> to vector<1x16xf32>
    tpu.vector_store %arg7[%swap3A_493, %swap3A_494], %swap3A_497 {strides = array<i32>} : memref<16x128xf32, #tpu.memory_space<vmem>>, vector<1x16xf32>,
    %swap3A_498 = arith.constant 8 : i32
    %swap3A_499 = arith.index_cast %swap3A_498 : i32 to index
    %swap3A_500 = arith.constant 0 : index
    %swap3A_501 = tpu.vector_load %arg7[%swap3A_499, %swap3A_500] {strides = array<i32>} : memref<16x128xf32, #tpu.memory_space<vmem>>, vector<1x16xf32>,
    %swap3A_502 = vector.shape_cast %swap3A_501 : vector<1x16xf32> to vector<16xf32>
    %swap3A_503 = vector.shape_cast %broadcast_in_dim3A_5 : vector<16xf32> to vector<1x16xf32>
    tpu.vector_store %arg7[%swap3A_499, %swap3A_500], %swap3A_503 {strides = array<i32>} : memref<16x128xf32, #tpu.memory_space<vmem>>, vector<1x16xf32>,
    %swap3A_504 = arith.constant 8 : i32
    %swap3A_505 = arith.index_cast %swap3A_504 : i32 to index
    %swap3A_506 = arith.constant 16 : index
    %swap3A_507 = tpu.vector_load %arg7[%swap3A_505, %swap3A_506] {strides = array<i32>} : memref<16x128xf32, #tpu.memory_space<vmem>>, vector<1x16xf32>,
    %swap3A_508 = vector.shape_cast %swap3A_507 : vector<1x16xf32> to vector<16xf32>
    %swap3A_509 = vector.shape_cast %broadcast_in_dim3A_5 : vector<16xf32> to vector<1x16xf32>
    tpu.vector_store %arg7[%swap3A_505, %swap3A_506], %swap3A_509 {strides = array<i32>} : memref<16x128xf32, #tpu.memory_space<vmem>>, vector<1x16xf32>,
    %swap3A_510 = arith.constant 8 : i32
    %swap3A_511 = arith.index_cast %swap3A_510 : i32 to index
    %swap3A_512 = arith.constant 32 : index
    %swap3A_513 = tpu.vector_load %arg7[%swap3A_511, %swap3A_512] {strides = array<i32>} : memref<16x128xf32, #tpu.memory_space<vmem>>, vector<1x16xf32>,
    %swap3A_514 = vector.shape_cast %swap3A_513 : vector<1x16xf32> to vector<16xf32>
    %swap3A_515 = vector.shape_cast %broadcast_in_dim3A_5 : vector<16xf32> to vector<1x16xf32>
    tpu.vector_store %arg7[%swap3A_511, %swap3A_512], %swap3A_515 {strides = array<i32>} : memref<16x128xf32, #tpu.memory_space<vmem>>, vector<1x16xf32>,
    %swap3A_516 = arith.constant 8 : i32
    %swap3A_517 = arith.index_cast %swap3A_516 : i32 to index
    %swap3A_518 = arith.constant 48 : index
    %swap3A_519 = tpu.vector_load %arg7[%swap3A_517, %swap3A_518] {strides = array<i32>} : memref<16x128xf32, #tpu.memory_space<vmem>>, vector<1x16xf32>,
    %swap3A_520 = vector.shape_cast %swap3A_519 : vector<1x16xf32> to vector<16xf32>
    %swap3A_521 = vector.shape_cast %broadcast_in_dim3A_5 : vector<16xf32> to vector<1x16xf32>
    tpu.vector_store %arg7[%swap3A_517, %swap3A_518], %swap3A_521 {strides = array<i32>} : memref<16x128xf32, #tpu.memory_space<vmem>>, vector<1x16xf32>,
    %swap3A_522 = arith.constant 8 : i32
    %swap3A_523 = arith.index_cast %swap3A_522 : i32 to index
    %swap3A_524 = arith.constant 64 : index
    %swap3A_525 = tpu.vector_load %arg7[%swap3A_523, %swap3A_524] {strides = array<i32>} : memref<16x128xf32, #tpu.memory_space<vmem>>, vector<1x16xf32>,
    %swap3A_526 = vector.shape_cast %swap3A_525 : vector<1x16xf32> to vector<16xf32>
    %swap3A_527 = vector.shape_cast %broadcast_in_dim3A_5 : vector<16xf32> to vector<1x16xf32>
    tpu.vector_store %arg7[%swap3A_523, %swap3A_524], %swap3A_527 {strides = array<i32>} : memref<16x128xf32, #tpu.memory_space<vmem>>, vector<1x16xf32>,
    %swap3A_528 = arith.constant 8 : i32
    %swap3A_529 = arith.index_cast %swap3A_528 : i32 to index
    %swap3A_530 = arith.constant 80 : index
    %swap3A_531 = tpu.vector_load %arg7[%swap3A_529, %swap3A_530] {strides = array<i32>} : memref<16x128xf32, #tpu.memory_space<vmem>>, vector<1x16xf32>,
    %swap3A_532 = vector.shape_cast %swap3A_531 : vector<1x16xf32> to vector<16xf32>
    %swap3A_533 = vector.shape_cast %broadcast_in_dim3A_5 : vector<16xf32> to vector<1x16xf32>
    tpu.vector_store %arg7[%swap3A_529, %swap3A_530], %swap3A_533 {strides = array<i32>} : memref<16x128xf32, #tpu.memory_space<vmem>>, vector<1x16xf32>,
    %swap3A_534 = arith.constant 8 : i32
    %swap3A_535 = arith.index_cast %swap3A_534 : i32 to index
    %swap3A_536 = arith.constant 96 : index
    %swap3A_537 = tpu.vector_load %arg7[%swap3A_535, %swap3A_536] {strides = array<i32>} : memref<16x128xf32, #tpu.memory_space<vmem>>, vector<1x16xf32>,
    %swap3A_538 = vector.shape_cast %swap3A_537 : vector<1x16xf32> to vector<16xf32>
    %swap3A_539 = vector.shape_cast %broadcast_in_dim3A_5 : vector<16xf32> to vector<1x16xf32>
    tpu.vector_store %arg7[%swap3A_535, %swap3A_536], %swap3A_539 {strides = array<i32>} : memref<16x128xf32, #tpu.memory_space<vmem>>, vector<1x16xf32>,
    %swap3A_540 = arith.constant 8 : i32
    %swap3A_541 = arith.index_cast %swap3A_540 : i32 to index
    %swap3A_542 = arith.constant 112 : index
    %swap3A_543 = tpu.vector_load %arg7[%swap3A_541, %swap3A_542] {strides = array<i32>} : memref<16x128xf32, #tpu.memory_space<vmem>>, vector<1x16xf32>,
    %swap3A_544 = vector.shape_cast %swap3A_543 : vector<1x16xf32> to vector<16xf32>
    %swap3A_545 = vector.shape_cast %broadcast_in_dim3A_5 : vector<16xf32> to vector<1x16xf32>
    tpu.vector_store %arg7[%swap3A_541, %swap3A_542], %swap3A_545 {strides = array<i32>} : memref<16x128xf32, #tpu.memory_space<vmem>>, vector<1x16xf32>,
    %swap3A_546 = arith.constant 9 : i32
    %swap3A_547 = arith.index_cast %swap3A_546 : i32 to index
    %swap3A_548 = arith.constant 0 : index
    %swap3A_549 = tpu.vector_load %arg7[%swap3A_547, %swap3A_548] {strides = array<i32>} : memref<16x128xf32, #tpu.memory_space<vmem>>, vector<1x16xf32>,
    %swap3A_550 = vector.shape_cast %swap3A_549 : vector<1x16xf32> to vector<16xf32>
    %swap3A_551 = vector.shape_cast %broadcast_in_dim3A_5 : vector<16xf32> to vector<1x16xf32>
    tpu.vector_store %arg7[%swap3A_547, %swap3A_548], %swap3A_551 {strides = array<i32>} : memref<16x128xf32, #tpu.memory_space<vmem>>, vector<1x16xf32>,
    %swap3A_552 = arith.constant 9 : i32
    %swap3A_553 = arith.index_cast %swap3A_552 : i32 to index
    %swap3A_554 = arith.constant 16 : index
    %swap3A_555 = tpu.vector_load %arg7[%swap3A_553, %swap3A_554] {strides = array<i32>} : memref<16x128xf32, #tpu.memory_space<vmem>>, vector<1x16xf32>,
    %swap3A_556 = vector.shape_cast %swap3A_555 : vector<1x16xf32> to vector<16xf32>
    %swap3A_557 = vector.shape_cast %broadcast_in_dim3A_5 : vector<16xf32> to vector<1x16xf32>
    tpu.vector_store %arg7[%swap3A_553, %swap3A_554], %swap3A_557 {strides = array<i32>} : memref<16x128xf32, #tpu.memory_space<vmem>>, vector<1x16xf32>,
    %swap3A_558 = arith.constant 9 : i32
    %swap3A_559 = arith.index_cast %swap3A_558 : i32 to index
    %swap3A_560 = arith.constant 32 : index
    %swap3A_561 = tpu.vector_load %arg7[%swap3A_559, %swap3A_560] {strides = array<i32>} : memref<16x128xf32, #tpu.memory_space<vmem>>, vector<1x16xf32>,
    %swap3A_562 = vector.shape_cast %swap3A_561 : vector<1x16xf32> to vector<16xf32>
    %swap3A_563 = vector.shape_cast %broadcast_in_dim3A_5 : vector<16xf32> to vector<1x16xf32>
    tpu.vector_store %arg7[%swap3A_559, %swap3A_560], %swap3A_563 {strides = array<i32>} : memref<16x128xf32, #tpu.memory_space<vmem>>, vector<1x16xf32>,
    %swap3A_564 = arith.constant 9 : i32
    %swap3A_565 = arith.index_cast %swap3A_564 : i32 to index
    %swap3A_566 = arith.constant 48 : index
    %swap3A_567 = tpu.vector_load %arg7[%swap3A_565, %swap3A_566] {strides = array<i32>} : memref<16x128xf32, #tpu.memory_space<vmem>>, vector<1x16xf32>,
    %swap3A_568 = vector.shape_cast %swap3A_567 : vector<1x16xf32> to vector<16xf32>
    %swap3A_569 = vector.shape_cast %broadcast_in_dim3A_5 : vector<16xf32> to vector<1x16xf32>
    tpu.vector_store %arg7[%swap3A_565, %swap3A_566], %swap3A_569 {strides = array<i32>} : memref<16x128xf32, #tpu.memory_space<vmem>>, vector<1x16xf32>,
    %swap3A_570 = arith.constant 9 : i32
    %swap3A_571 = arith.index_cast %swap3A_570 : i32 to index
    %swap3A_572 = arith.constant 64 : index
    %swap3A_573 = tpu.vector_load %arg7[%swap3A_571, %swap3A_572] {strides = array<i32>} : memref<16x128xf32, #tpu.memory_space<vmem>>, vector<1x16xf32>,
    %swap3A_574 = vector.shape_cast %swap3A_573 : vector<1x16xf32> to vector<16xf32>
    %swap3A_575 = vector.shape_cast %broadcast_in_dim3A_5 : vector<16xf32> to vector<1x16xf32>
    tpu.vector_store %arg7[%swap3A_571, %swap3A_572], %swap3A_575 {strides = array<i32>} : memref<16x128xf32, #tpu.memory_space<vmem>>, vector<1x16xf32>,
    %swap3A_576 = arith.constant 9 : i32
    %swap3A_577 = arith.index_cast %swap3A_576 : i32 to index
    %swap3A_578 = arith.constant 80 : index
    %swap3A_579 = tpu.vector_load %arg7[%swap3A_577, %swap3A_578] {strides = array<i32>} : memref<16x128xf32, #tpu.memory_space<vmem>>, vector<1x16xf32>,
    %swap3A_580 = vector.shape_cast %swap3A_579 : vector<1x16xf32> to vector<16xf32>
    %swap3A_581 = vector.shape_cast %broadcast_in_dim3A_5 : vector<16xf32> to vector<1x16xf32>
    tpu.vector_store %arg7[%swap3A_577, %swap3A_578], %swap3A_581 {strides = array<i32>} : memref<16x128xf32, #tpu.memory_space<vmem>>, vector<1x16xf32>,
    %swap3A_582 = arith.constant 9 : i32
    %swap3A_583 = arith.index_cast %swap3A_582 : i32 to index
    %swap3A_584 = arith.constant 96 : index
    %swap3A_585 = tpu.vector_load %arg7[%swap3A_583, %swap3A_584] {strides = array<i32>} : memref<16x128xf32, #tpu.memory_space<vmem>>, vector<1x16xf32>,
    %swap3A_586 = vector.shape_cast %swap3A_585 : vector<1x16xf32> to vector<16xf32>
    %swap3A_587 = vector.shape_cast %broadcast_in_dim3A_5 : vector<16xf32> to vector<1x16xf32>
    tpu.vector_store %arg7[%swap3A_583, %swap3A_584], %swap3A_587 {strides = array<i32>} : memref<16x128xf32, #tpu.memory_space<vmem>>, vector<1x16xf32>,
    %swap3A_588 = arith.constant 9 : i32
    %swap3A_589 = arith.index_cast %swap3A_588 : i32 to index
    %swap3A_590 = arith.constant 112 : index
    %swap3A_591 = tpu.vector_load %arg7[%swap3A_589, %swap3A_590] {strides = array<i32>} : memref<16x128xf32, #tpu.memory_space<vmem>>, vector<1x16xf32>,
    %swap3A_592 = vector.shape_cast %swap3A_591 : vector<1x16xf32> to vector<16xf32>
    %swap3A_593 = vector.shape_cast %broadcast_in_dim3A_5 : vector<16xf32> to vector<1x16xf32>
    tpu.vector_store %arg7[%swap3A_589, %swap3A_590], %swap3A_593 {strides = array<i32>} : memref<16x128xf32, #tpu.memory_space<vmem>>, vector<1x16xf32>,
    %swap3A_594 = arith.constant 10 : i32
    %swap3A_595 = arith.index_cast %swap3A_594 : i32 to index
    %swap3A_596 = arith.constant 0 : index
    %swap3A_597 = tpu.vector_load %arg7[%swap3A_595, %swap3A_596] {strides = array<i32>} : memref<16x128xf32, #tpu.memory_space<vmem>>, vector<1x16xf32>,
    %swap3A_598 = vector.shape_cast %swap3A_597 : vector<1x16xf32> to vector<16xf32>
    %swap3A_599 = vector.shape_cast %broadcast_in_dim3A_5 : vector<16xf32> to vector<1x16xf32>
    tpu.vector_store %arg7[%swap3A_595, %swap3A_596], %swap3A_599 {strides = array<i32>} : memref<16x128xf32, #tpu.memory_space<vmem>>, vector<1x16xf32>,
    %swap3A_600 = arith.constant 10 : i32
    %swap3A_601 = arith.index_cast %swap3A_600 : i32 to index
    %swap3A_602 = arith.constant 16 : index
    %swap3A_603 = tpu.vector_load %arg7[%swap3A_601, %swap3A_602] {strides = array<i32>} : memref<16x128xf32, #tpu.memory_space<vmem>>, vector<1x16xf32>,
    %swap3A_604 = vector.shape_cast %swap3A_603 : vector<1x16xf32> to vector<16xf32>
    %swap3A_605 = vector.shape_cast %broadcast_in_dim3A_5 : vector<16xf32> to vector<1x16xf32>
    tpu.vector_store %arg7[%swap3A_601, %swap3A_602], %swap3A_605 {strides = array<i32>} : memref<16x128xf32, #tpu.memory_space<vmem>>, vector<1x16xf32>,
    %swap3A_606 = arith.constant 10 : i32
    %swap3A_607 = arith.index_cast %swap3A_606 : i32 to index
    %swap3A_608 = arith.constant 32 : index
    %swap3A_609 = tpu.vector_load %arg7[%swap3A_607, %swap3A_608] {strides = array<i32>} : memref<16x128xf32, #tpu.memory_space<vmem>>, vector<1x16xf32>,
    %swap3A_610 = vector.shape_cast %swap3A_609 : vector<1x16xf32> to vector<16xf32>
    %swap3A_611 = vector.shape_cast %broadcast_in_dim3A_5 : vector<16xf32> to vector<1x16xf32>
    tpu.vector_store %arg7[%swap3A_607, %swap3A_608], %swap3A_611 {strides = array<i32>} : memref<16x128xf32, #tpu.memory_space<vmem>>, vector<1x16xf32>,
    %swap3A_612 = arith.constant 10 : i32
    %swap3A_613 = arith.index_cast %swap3A_612 : i32 to index
    %swap3A_614 = arith.constant 48 : index
    %swap3A_615 = tpu.vector_load %arg7[%swap3A_613, %swap3A_614] {strides = array<i32>} : memref<16x128xf32, #tpu.memory_space<vmem>>, vector<1x16xf32>,
    %swap3A_616 = vector.shape_cast %swap3A_615 : vector<1x16xf32> to vector<16xf32>
    %swap3A_617 = vector.shape_cast %broadcast_in_dim3A_5 : vector<16xf32> to vector<1x16xf32>
    tpu.vector_store %arg7[%swap3A_613, %swap3A_614], %swap3A_617 {strides = array<i32>} : memref<16x128xf32, #tpu.memory_space<vmem>>, vector<1x16xf32>,
    %swap3A_618 = arith.constant 10 : i32
    %swap3A_619 = arith.index_cast %swap3A_618 : i32 to index
    %swap3A_620 = arith.constant 64 : index
    %swap3A_621 = tpu.vector_load %arg7[%swap3A_619, %swap3A_620] {strides = array<i32>} : memref<16x128xf32, #tpu.memory_space<vmem>>, vector<1x16xf32>,
    %swap3A_622 = vector.shape_cast %swap3A_621 : vector<1x16xf32> to vector<16xf32>
    %swap3A_623 = vector.shape_cast %broadcast_in_dim3A_5 : vector<16xf32> to vector<1x16xf32>
    tpu.vector_store %arg7[%swap3A_619, %swap3A_620], %swap3A_623 {strides = array<i32>} : memref<16x128xf32, #tpu.memory_space<vmem>>, vector<1x16xf32>,
    %swap3A_624 = arith.constant 10 : i32
    %swap3A_625 = arith.index_cast %swap3A_624 : i32 to index
    %swap3A_626 = arith.constant 80 : index
    %swap3A_627 = tpu.vector_load %arg7[%swap3A_625, %swap3A_626] {strides = array<i32>} : memref<16x128xf32, #tpu.memory_space<vmem>>, vector<1x16xf32>,
    %swap3A_628 = vector.shape_cast %swap3A_627 : vector<1x16xf32> to vector<16xf32>
    %swap3A_629 = vector.shape_cast %broadcast_in_dim3A_5 : vector<16xf32> to vector<1x16xf32>
    tpu.vector_store %arg7[%swap3A_625, %swap3A_626], %swap3A_629 {strides = array<i32>} : memref<16x128xf32, #tpu.memory_space<vmem>>, vector<1x16xf32>,
    %swap3A_630 = arith.constant 10 : i32
    %swap3A_631 = arith.index_cast %swap3A_630 : i32 to index
    %swap3A_632 = arith.constant 96 : index
    %swap3A_633 = tpu.vector_load %arg7[%swap3A_631, %swap3A_632] {strides = array<i32>} : memref<16x128xf32, #tpu.memory_space<vmem>>, vector<1x16xf32>,
    %swap3A_634 = vector.shape_cast %swap3A_633 : vector<1x16xf32> to vector<16xf32>
    %swap3A_635 = vector.shape_cast %broadcast_in_dim3A_5 : vector<16xf32> to vector<1x16xf32>
    tpu.vector_store %arg7[%swap3A_631, %swap3A_632], %swap3A_635 {strides = array<i32>} : memref<16x128xf32, #tpu.memory_space<vmem>>, vector<1x16xf32>,
    %swap3A_636 = arith.constant 10 : i32
    %swap3A_637 = arith.index_cast %swap3A_636 : i32 to index
    %swap3A_638 = arith.constant 112 : index
    %swap3A_639 = tpu.vector_load %arg7[%swap3A_637, %swap3A_638] {strides = array<i32>} : memref<16x128xf32, #tpu.memory_space<vmem>>, vector<1x16xf32>,
    %swap3A_640 = vector.shape_cast %swap3A_639 : vector<1x16xf32> to vector<16xf32>
    %swap3A_641 = vector.shape_cast %broadcast_in_dim3A_5 : vector<16xf32> to vector<1x16xf32>
    tpu.vector_store %arg7[%swap3A_637, %swap3A_638], %swap3A_641 {strides = array<i32>} : memref<16x128xf32, #tpu.memory_space<vmem>>, vector<1x16xf32>,
    %swap3A_642 = arith.constant 11 : i32
    %swap3A_643 = arith.index_cast %swap3A_642 : i32 to index
    %swap3A_644 = arith.constant 0 : index
    %swap3A_645 = tpu.vector_load %arg7[%swap3A_643, %swap3A_644] {strides = array<i32>} : memref<16x128xf32, #tpu.memory_space<vmem>>, vector<1x16xf32>,
    %swap3A_646 = vector.shape_cast %swap3A_645 : vector<1x16xf32> to vector<16xf32>
    %swap3A_647 = vector.shape_cast %broadcast_in_dim3A_5 : vector<16xf32> to vector<1x16xf32>
    tpu.vector_store %arg7[%swap3A_643, %swap3A_644], %swap3A_647 {strides = array<i32>} : memref<16x128xf32, #tpu.memory_space<vmem>>, vector<1x16xf32>,
    %swap3A_648 = arith.constant 11 : i32
    %swap3A_649 = arith.index_cast %swap3A_648 : i32 to index
    %swap3A_650 = arith.constant 16 : index
    %swap3A_651 = tpu.vector_load %arg7[%swap3A_649, %swap3A_650] {strides = array<i32>} : memref<16x128xf32, #tpu.memory_space<vmem>>, vector<1x16xf32>,
    %swap3A_652 = vector.shape_cast %swap3A_651 : vector<1x16xf32> to vector<16xf32>
    %swap3A_653 = vector.shape_cast %broadcast_in_dim3A_5 : vector<16xf32> to vector<1x16xf32>
    tpu.vector_store %arg7[%swap3A_649, %swap3A_650], %swap3A_653 {strides = array<i32>} : memref<16x128xf32, #tpu.memory_space<vmem>>, vector<1x16xf32>,
    %swap3A_654 = arith.constant 11 : i32
    %swap3A_655 = arith.index_cast %swap3A_654 : i32 to index
    %swap3A_656 = arith.constant 32 : index
    %swap3A_657 = tpu.vector_load %arg7[%swap3A_655, %swap3A_656] {strides = array<i32>} : memref<16x128xf32, #tpu.memory_space<vmem>>, vector<1x16xf32>,
    %swap3A_658 = vector.shape_cast %swap3A_657 : vector<1x16xf32> to vector<16xf32>
    %swap3A_659 = vector.shape_cast %broadcast_in_dim3A_5 : vector<16xf32> to vector<1x16xf32>
    tpu.vector_store %arg7[%swap3A_655, %swap3A_656], %swap3A_659 {strides = array<i32>} : memref<16x128xf32, #tpu.memory_space<vmem>>, vector<1x16xf32>,
    %swap3A_660 = arith.constant 11 : i32
    %swap3A_661 = arith.index_cast %swap3A_660 : i32 to index
    %swap3A_662 = arith.constant 48 : index
    %swap3A_663 = tpu.vector_load %arg7[%swap3A_661, %swap3A_662] {strides = array<i32>} : memref<16x128xf32, #tpu.memory_space<vmem>>, vector<1x16xf32>,
    %swap3A_664 = vector.shape_cast %swap3A_663 : vector<1x16xf32> to vector<16xf32>
    %swap3A_665 = vector.shape_cast %broadcast_in_dim3A_5 : vector<16xf32> to vector<1x16xf32>
    tpu.vector_store %arg7[%swap3A_661, %swap3A_662], %swap3A_665 {strides = array<i32>} : memref<16x128xf32, #tpu.memory_space<vmem>>, vector<1x16xf32>,
    %swap3A_666 = arith.constant 11 : i32
    %swap3A_667 = arith.index_cast %swap3A_666 : i32 to index
    %swap3A_668 = arith.constant 64 : index
    %swap3A_669 = tpu.vector_load %arg7[%swap3A_667, %swap3A_668] {strides = array<i32>} : memref<16x128xf32, #tpu.memory_space<vmem>>, vector<1x16xf32>,
    %swap3A_670 = vector.shape_cast %swap3A_669 : vector<1x16xf32> to vector<16xf32>
    %swap3A_671 = vector.shape_cast %broadcast_in_dim3A_5 : vector<16xf32> to vector<1x16xf32>
    tpu.vector_store %arg7[%swap3A_667, %swap3A_668], %swap3A_671 {strides = array<i32>} : memref<16x128xf32, #tpu.memory_space<vmem>>, vector<1x16xf32>,
    %swap3A_672 = arith.constant 11 : i32
    %swap3A_673 = arith.index_cast %swap3A_672 : i32 to index
    %swap3A_674 = arith.constant 80 : index
    %swap3A_675 = tpu.vector_load %arg7[%swap3A_673, %swap3A_674] {strides = array<i32>} : memref<16x128xf32, #tpu.memory_space<vmem>>, vector<1x16xf32>,
    %swap3A_676 = vector.shape_cast %swap3A_675 : vector<1x16xf32> to vector<16xf32>
    %swap3A_677 = vector.shape_cast %broadcast_in_dim3A_5 : vector<16xf32> to vector<1x16xf32>
    tpu.vector_store %arg7[%swap3A_673, %swap3A_674], %swap3A_677 {strides = array<i32>} : memref<16x128xf32, #tpu.memory_space<vmem>>, vector<1x16xf32>,
    %swap3A_678 = arith.constant 11 : i32
    %swap3A_679 = arith.index_cast %swap3A_678 : i32 to index
    %swap3A_680 = arith.constant 96 : index
    %swap3A_681 = tpu.vector_load %arg7[%swap3A_679, %swap3A_680] {strides = array<i32>} : memref<16x128xf32, #tpu.memory_space<vmem>>, vector<1x16xf32>,
    %swap3A_682 = vector.shape_cast %swap3A_681 : vector<1x16xf32> to vector<16xf32>
    %swap3A_683 = vector.shape_cast %broadcast_in_dim3A_5 : vector<16xf32> to vector<1x16xf32>
    tpu.vector_store %arg7[%swap3A_679, %swap3A_680], %swap3A_683 {strides = array<i32>} : memref<16x128xf32, #tpu.memory_space<vmem>>, vector<1x16xf32>,
    %swap3A_684 = arith.constant 11 : i32
    %swap3A_685 = arith.index_cast %swap3A_684 : i32 to index
    %swap3A_686 = arith.constant 112 : index
    %swap3A_687 = tpu.vector_load %arg7[%swap3A_685, %swap3A_686] {strides = array<i32>} : memref<16x128xf32, #tpu.memory_space<vmem>>, vector<1x16xf32>,
    %swap3A_688 = vector.shape_cast %swap3A_687 : vector<1x16xf32> to vector<16xf32>
    %swap3A_689 = vector.shape_cast %broadcast_in_dim3A_5 : vector<16xf32> to vector<1x16xf32>
    tpu.vector_store %arg7[%swap3A_685, %swap3A_686], %swap3A_689 {strides = array<i32>} : memref<16x128xf32, #tpu.memory_space<vmem>>, vector<1x16xf32>,
    %swap3A_690 = arith.constant 12 : i32
    %swap3A_691 = arith.index_cast %swap3A_690 : i32 to index
    %swap3A_692 = arith.constant 0 : index
    %swap3A_693 = tpu.vector_load %arg7[%swap3A_691, %swap3A_692] {strides = array<i32>} : memref<16x128xf32, #tpu.memory_space<vmem>>, vector<1x16xf32>,
    %swap3A_694 = vector.shape_cast %swap3A_693 : vector<1x16xf32> to vector<16xf32>
    %swap3A_695 = vector.shape_cast %broadcast_in_dim3A_5 : vector<16xf32> to vector<1x16xf32>
    tpu.vector_store %arg7[%swap3A_691, %swap3A_692], %swap3A_695 {strides = array<i32>} : memref<16x128xf32, #tpu.memory_space<vmem>>, vector<1x16xf32>,
    %swap3A_696 = arith.constant 12 : i32
    %swap3A_697 = arith.index_cast %swap3A_696 : i32 to index
    %swap3A_698 = arith.constant 16 : index
    %swap3A_699 = tpu.vector_load %arg7[%swap3A_697, %swap3A_698] {strides = array<i32>} : memref<16x128xf32, #tpu.memory_space<vmem>>, vector<1x16xf32>,
    %swap3A_700 = vector.shape_cast %swap3A_699 : vector<1x16xf32> to vector<16xf32>
    %swap3A_701 = vector.shape_cast %broadcast_in_dim3A_5 : vector<16xf32> to vector<1x16xf32>
    tpu.vector_store %arg7[%swap3A_697, %swap3A_698], %swap3A_701 {strides = array<i32>} : memref<16x128xf32, #tpu.memory_space<vmem>>, vector<1x16xf32>,
    %swap3A_702 = arith.constant 12 : i32
    %swap3A_703 = arith.index_cast %swap3A_702 : i32 to index
    %swap3A_704 = arith.constant 32 : index
    %swap3A_705 = tpu.vector_load %arg7[%swap3A_703, %swap3A_704] {strides = array<i32>} : memref<16x128xf32, #tpu.memory_space<vmem>>, vector<1x16xf32>,
    %swap3A_706 = vector.shape_cast %swap3A_705 : vector<1x16xf32> to vector<16xf32>
    %swap3A_707 = vector.shape_cast %broadcast_in_dim3A_5 : vector<16xf32> to vector<1x16xf32>
    tpu.vector_store %arg7[%swap3A_703, %swap3A_704], %swap3A_707 {strides = array<i32>} : memref<16x128xf32, #tpu.memory_space<vmem>>, vector<1x16xf32>,
    %swap3A_708 = arith.constant 12 : i32
    %swap3A_709 = arith.index_cast %swap3A_708 : i32 to index
    %swap3A_710 = arith.constant 48 : index
    %swap3A_711 = tpu.vector_load %arg7[%swap3A_709, %swap3A_710] {strides = array<i32>} : memref<16x128xf32, #tpu.memory_space<vmem>>, vector<1x16xf32>,
    %swap3A_712 = vector.shape_cast %swap3A_711 : vector<1x16xf32> to vector<16xf32>
    %swap3A_713 = vector.shape_cast %broadcast_in_dim3A_5 : vector<16xf32> to vector<1x16xf32>
    tpu.vector_store %arg7[%swap3A_709, %swap3A_710], %swap3A_713 {strides = array<i32>} : memref<16x128xf32, #tpu.memory_space<vmem>>, vector<1x16xf32>,
    %swap3A_714 = arith.constant 12 : i32
    %swap3A_715 = arith.index_cast %swap3A_714 : i32 to index
    %swap3A_716 = arith.constant 64 : index
    %swap3A_717 = tpu.vector_load %arg7[%swap3A_715, %swap3A_716] {strides = array<i32>} : memref<16x128xf32, #tpu.memory_space<vmem>>, vector<1x16xf32>,
    %swap3A_718 = vector.shape_cast %swap3A_717 : vector<1x16xf32> to vector<16xf32>
    %swap3A_719 = vector.shape_cast %broadcast_in_dim3A_5 : vector<16xf32> to vector<1x16xf32>
    tpu.vector_store %arg7[%swap3A_715, %swap3A_716], %swap3A_719 {strides = array<i32>} : memref<16x128xf32, #tpu.memory_space<vmem>>, vector<1x16xf32>,
    %swap3A_720 = arith.constant 12 : i32
    %swap3A_721 = arith.index_cast %swap3A_720 : i32 to index
    %swap3A_722 = arith.constant 80 : index
    %swap3A_723 = tpu.vector_load %arg7[%swap3A_721, %swap3A_722] {strides = array<i32>} : memref<16x128xf32, #tpu.memory_space<vmem>>, vector<1x16xf32>,
    %swap3A_724 = vector.shape_cast %swap3A_723 : vector<1x16xf32> to vector<16xf32>
    %swap3A_725 = vector.shape_cast %broadcast_in_dim3A_5 : vector<16xf32> to vector<1x16xf32>
    tpu.vector_store %arg7[%swap3A_721, %swap3A_722], %swap3A_725 {strides = array<i32>} : memref<16x128xf32, #tpu.memory_space<vmem>>, vector<1x16xf32>,
    %swap3A_726 = arith.constant 12 : i32
    %swap3A_727 = arith.index_cast %swap3A_726 : i32 to index
    %swap3A_728 = arith.constant 96 : index
    %swap3A_729 = tpu.vector_load %arg7[%swap3A_727, %swap3A_728] {strides = array<i32>} : memref<16x128xf32, #tpu.memory_space<vmem>>, vector<1x16xf32>,
    %swap3A_730 = vector.shape_cast %swap3A_729 : vector<1x16xf32> to vector<16xf32>
    %swap3A_731 = vector.shape_cast %broadcast_in_dim3A_5 : vector<16xf32> to vector<1x16xf32>
    tpu.vector_store %arg7[%swap3A_727, %swap3A_728], %swap3A_731 {strides = array<i32>} : memref<16x128xf32, #tpu.memory_space<vmem>>, vector<1x16xf32>,
    %swap3A_732 = arith.constant 12 : i32
    %swap3A_733 = arith.index_cast %swap3A_732 : i32 to index
    %swap3A_734 = arith.constant 112 : index
    %swap3A_735 = tpu.vector_load %arg7[%swap3A_733, %swap3A_734] {strides = array<i32>} : memref<16x128xf32, #tpu.memory_space<vmem>>, vector<1x16xf32>,
    %swap3A_736 = vector.shape_cast %swap3A_735 : vector<1x16xf32> to vector<16xf32>
    %swap3A_737 = vector.shape_cast %broadcast_in_dim3A_5 : vector<16xf32> to vector<1x16xf32>
    tpu.vector_store %arg7[%swap3A_733, %swap3A_734], %swap3A_737 {strides = array<i32>} : memref<16x128xf32, #tpu.memory_space<vmem>>, vector<1x16xf32>,
    %swap3A_738 = arith.constant 13 : i32
    %swap3A_739 = arith.index_cast %swap3A_738 : i32 to index
    %swap3A_740 = arith.constant 0 : index
    %swap3A_741 = tpu.vector_load %arg7[%swap3A_739, %swap3A_740] {strides = array<i32>} : memref<16x128xf32, #tpu.memory_space<vmem>>, vector<1x16xf32>,
    %swap3A_742 = vector.shape_cast %swap3A_741 : vector<1x16xf32> to vector<16xf32>
    %swap3A_743 = vector.shape_cast %broadcast_in_dim3A_5 : vector<16xf32> to vector<1x16xf32>
    tpu.vector_store %arg7[%swap3A_739, %swap3A_740], %swap3A_743 {strides = array<i32>} : memref<16x128xf32, #tpu.memory_space<vmem>>, vector<1x16xf32>,
    %swap3A_744 = arith.constant 13 : i32
    %swap3A_745 = arith.index_cast %swap3A_744 : i32 to index
    %swap3A_746 = arith.constant 16 : index
    %swap3A_747 = tpu.vector_load %arg7[%swap3A_745, %swap3A_746] {strides = array<i32>} : memref<16x128xf32, #tpu.memory_space<vmem>>, vector<1x16xf32>,
    %swap3A_748 = vector.shape_cast %swap3A_747 : vector<1x16xf32> to vector<16xf32>
    %swap3A_749 = vector.shape_cast %broadcast_in_dim3A_5 : vector<16xf32> to vector<1x16xf32>
    tpu.vector_store %arg7[%swap3A_745, %swap3A_746], %swap3A_749 {strides = array<i32>} : memref<16x128xf32, #tpu.memory_space<vmem>>, vector<1x16xf32>,
    %swap3A_750 = arith.constant 13 : i32
    %swap3A_751 = arith.index_cast %swap3A_750 : i32 to index
    %swap3A_752 = arith.constant 32 : index
    %swap3A_753 = tpu.vector_load %arg7[%swap3A_751, %swap3A_752] {strides = array<i32>} : memref<16x128xf32, #tpu.memory_space<vmem>>, vector<1x16xf32>,
    %swap3A_754 = vector.shape_cast %swap3A_753 : vector<1x16xf32> to vector<16xf32>
    %swap3A_755 = vector.shape_cast %broadcast_in_dim3A_5 : vector<16xf32> to vector<1x16xf32>
    tpu.vector_store %arg7[%swap3A_751, %swap3A_752], %swap3A_755 {strides = array<i32>} : memref<16x128xf32, #tpu.memory_space<vmem>>, vector<1x16xf32>,
    %swap3A_756 = arith.constant 13 : i32
    %swap3A_757 = arith.index_cast %swap3A_756 : i32 to index
    %swap3A_758 = arith.constant 48 : index
    %swap3A_759 = tpu.vector_load %arg7[%swap3A_757, %swap3A_758] {strides = array<i32>} : memref<16x128xf32, #tpu.memory_space<vmem>>, vector<1x16xf32>,
    %swap3A_760 = vector.shape_cast %swap3A_759 : vector<1x16xf32> to vector<16xf32>
    %swap3A_761 = vector.shape_cast %broadcast_in_dim3A_5 : vector<16xf32> to vector<1x16xf32>
    tpu.vector_store %arg7[%swap3A_757, %swap3A_758], %swap3A_761 {strides = array<i32>} : memref<16x128xf32, #tpu.memory_space<vmem>>, vector<1x16xf32>,
    %swap3A_762 = arith.constant 13 : i32
    %swap3A_763 = arith.index_cast %swap3A_762 : i32 to index
    %swap3A_764 = arith.constant 64 : index
    %swap3A_765 = tpu.vector_load %arg7[%swap3A_763, %swap3A_764] {strides = array<i32>} : memref<16x128xf32, #tpu.memory_space<vmem>>, vector<1x16xf32>,
    %swap3A_766 = vector.shape_cast %swap3A_765 : vector<1x16xf32> to vector<16xf32>
    %swap3A_767 = vector.shape_cast %broadcast_in_dim3A_5 : vector<16xf32> to vector<1x16xf32>
    tpu.vector_store %arg7[%swap3A_763, %swap3A_764], %swap3A_767 {strides = array<i32>} : memref<16x128xf32, #tpu.memory_space<vmem>>, vector<1x16xf32>,
    %swap3A_768 = arith.constant 13 : i32
    %swap3A_769 = arith.index_cast %swap3A_768 : i32 to index
    %swap3A_770 = arith.constant 80 : index
    %swap3A_771 = tpu.vector_load %arg7[%swap3A_769, %swap3A_770] {strides = array<i32>} : memref<16x128xf32, #tpu.memory_space<vmem>>, vector<1x16xf32>,
    %swap3A_772 = vector.shape_cast %swap3A_771 : vector<1x16xf32> to vector<16xf32>
    %swap3A_773 = vector.shape_cast %broadcast_in_dim3A_5 : vector<16xf32> to vector<1x16xf32>
    tpu.vector_store %arg7[%swap3A_769, %swap3A_770], %swap3A_773 {strides = array<i32>} : memref<16x128xf32, #tpu.memory_space<vmem>>, vector<1x16xf32>,
    %swap3A_774 = arith.constant 13 : i32
    %swap3A_775 = arith.index_cast %swap3A_774 : i32 to index
    %swap3A_776 = arith.constant 96 : index
    %swap3A_777 = tpu.vector_load %arg7[%swap3A_775, %swap3A_776] {strides = array<i32>} : memref<16x128xf32, #tpu.memory_space<vmem>>, vector<1x16xf32>,
    %swap3A_778 = vector.shape_cast %swap3A_777 : vector<1x16xf32> to vector<16xf32>
    %swap3A_779 = vector.shape_cast %broadcast_in_dim3A_5 : vector<16xf32> to vector<1x16xf32>
    tpu.vector_store %arg7[%swap3A_775, %swap3A_776], %swap3A_779 {strides = array<i32>} : memref<16x128xf32, #tpu.memory_space<vmem>>, vector<1x16xf32>,
    %swap3A_780 = arith.constant 13 : i32
    %swap3A_781 = arith.index_cast %swap3A_780 : i32 to index
    %swap3A_782 = arith.constant 112 : index
    %swap3A_783 = tpu.vector_load %arg7[%swap3A_781, %swap3A_782] {strides = array<i32>} : memref<16x128xf32, #tpu.memory_space<vmem>>, vector<1x16xf32>,
    %swap3A_784 = vector.shape_cast %swap3A_783 : vector<1x16xf32> to vector<16xf32>
    %swap3A_785 = vector.shape_cast %broadcast_in_dim3A_5 : vector<16xf32> to vector<1x16xf32>
    tpu.vector_store %arg7[%swap3A_781, %swap3A_782], %swap3A_785 {strides = array<i32>} : memref<16x128xf32, #tpu.memory_space<vmem>>, vector<1x16xf32>,
    %swap3A_786 = arith.constant 14 : i32
    %swap3A_787 = arith.index_cast %swap3A_786 : i32 to index
    %swap3A_788 = arith.constant 0 : index
    %swap3A_789 = tpu.vector_load %arg7[%swap3A_787, %swap3A_788] {strides = array<i32>} : memref<16x128xf32, #tpu.memory_space<vmem>>, vector<1x16xf32>,
    %swap3A_790 = vector.shape_cast %swap3A_789 : vector<1x16xf32> to vector<16xf32>
    %swap3A_791 = vector.shape_cast %broadcast_in_dim3A_5 : vector<16xf32> to vector<1x16xf32>
    tpu.vector_store %arg7[%swap3A_787, %swap3A_788], %swap3A_791 {strides = array<i32>} : memref<16x128xf32, #tpu.memory_space<vmem>>, vector<1x16xf32>,
    %swap3A_792 = arith.constant 14 : i32
    %swap3A_793 = arith.index_cast %swap3A_792 : i32 to index
    %swap3A_794 = arith.constant 16 : index
    %swap3A_795 = tpu.vector_load %arg7[%swap3A_793, %swap3A_794] {strides = array<i32>} : memref<16x128xf32, #tpu.memory_space<vmem>>, vector<1x16xf32>,
    %swap3A_796 = vector.shape_cast %swap3A_795 : vector<1x16xf32> to vector<16xf32>
    %swap3A_797 = vector.shape_cast %broadcast_in_dim3A_5 : vector<16xf32> to vector<1x16xf32>
    tpu.vector_store %arg7[%swap3A_793, %swap3A_794], %swap3A_797 {strides = array<i32>} : memref<16x128xf32, #tpu.memory_space<vmem>>, vector<1x16xf32>,
    %swap3A_798 = arith.constant 14 : i32
    %swap3A_799 = arith.index_cast %swap3A_798 : i32 to index
    %swap3A_800 = arith.constant 32 : index
    %swap3A_801 = tpu.vector_load %arg7[%swap3A_799, %swap3A_800] {strides = array<i32>} : memref<16x128xf32, #tpu.memory_space<vmem>>, vector<1x16xf32>,
    %swap3A_802 = vector.shape_cast %swap3A_801 : vector<1x16xf32> to vector<16xf32>
    %swap3A_803 = vector.shape_cast %broadcast_in_dim3A_5 : vector<16xf32> to vector<1x16xf32>
    tpu.vector_store %arg7[%swap3A_799, %swap3A_800], %swap3A_803 {strides = array<i32>} : memref<16x128xf32, #tpu.memory_space<vmem>>, vector<1x16xf32>,
    %swap3A_804 = arith.constant 14 : i32
    %swap3A_805 = arith.index_cast %swap3A_804 : i32 to index
    %swap3A_806 = arith.constant 48 : index
    %swap3A_807 = tpu.vector_load %arg7[%swap3A_805, %swap3A_806] {strides = array<i32>} : memref<16x128xf32, #tpu.memory_space<vmem>>, vector<1x16xf32>,
    %swap3A_808 = vector.shape_cast %swap3A_807 : vector<1x16xf32> to vector<16xf32>
    %swap3A_809 = vector.shape_cast %broadcast_in_dim3A_5 : vector<16xf32> to vector<1x16xf32>
    tpu.vector_store %arg7[%swap3A_805, %swap3A_806], %swap3A_809 {strides = array<i32>} : memref<16x128xf32, #tpu.memory_space<vmem>>, vector<1x16xf32>,
    %swap3A_810 = arith.constant 14 : i32
    %swap3A_811 = arith.index_cast %swap3A_810 : i32 to index
    %swap3A_812 = arith.constant 64 : index
    %swap3A_813 = tpu.vector_load %arg7[%swap3A_811, %swap3A_812] {strides = array<i32>} : memref<16x128xf32, #tpu.memory_space<vmem>>, vector<1x16xf32>,
    %swap3A_814 = vector.shape_cast %swap3A_813 : vector<1x16xf32> to vector<16xf32>
    %swap3A_815 = vector.shape_cast %broadcast_in_dim3A_5 : vector<16xf32> to vector<1x16xf32>
    tpu.vector_store %arg7[%swap3A_811, %swap3A_812], %swap3A_815 {strides = array<i32>} : memref<16x128xf32, #tpu.memory_space<vmem>>, vector<1x16xf32>,
    %swap3A_816 = arith.constant 14 : i32
    %swap3A_817 = arith.index_cast %swap3A_816 : i32 to index
    %swap3A_818 = arith.constant 80 : index
    %swap3A_819 = tpu.vector_load %arg7[%swap3A_817, %swap3A_818] {strides = array<i32>} : memref<16x128xf32, #tpu.memory_space<vmem>>, vector<1x16xf32>,
    %swap3A_820 = vector.shape_cast %swap3A_819 : vector<1x16xf32> to vector<16xf32>
    %swap3A_821 = vector.shape_cast %broadcast_in_dim3A_5 : vector<16xf32> to vector<1x16xf32>
    tpu.vector_store %arg7[%swap3A_817, %swap3A_818], %swap3A_821 {strides = array<i32>} : memref<16x128xf32, #tpu.memory_space<vmem>>, vector<1x16xf32>,
    %swap3A_822 = arith.constant 14 : i32
    %swap3A_823 = arith.index_cast %swap3A_822 : i32 to index
    %swap3A_824 = arith.constant 96 : index
    %swap3A_825 = tpu.vector_load %arg7[%swap3A_823, %swap3A_824] {strides = array<i32>} : memref<16x128xf32, #tpu.memory_space<vmem>>, vector<1x16xf32>,
    %swap3A_826 = vector.shape_cast %swap3A_825 : vector<1x16xf32> to vector<16xf32>
    %swap3A_827 = vector.shape_cast %broadcast_in_dim3A_5 : vector<16xf32> to vector<1x16xf32>
    tpu.vector_store %arg7[%swap3A_823, %swap3A_824], %swap3A_827 {strides = array<i32>} : memref<16x128xf32, #tpu.memory_space<vmem>>, vector<1x16xf32>,
    %swap3A_828 = arith.constant 14 : i32
    %swap3A_829 = arith.index_cast %swap3A_828 : i32 to index
    %swap3A_830 = arith.constant 112 : index
    %swap3A_831 = tpu.vector_load %arg7[%swap3A_829, %swap3A_830] {strides = array<i32>} : memref<16x128xf32, #tpu.memory_space<vmem>>, vector<1x16xf32>,
    %swap3A_832 = vector.shape_cast %swap3A_831 : vector<1x16xf32> to vector<16xf32>
    %swap3A_833 = vector.shape_cast %broadcast_in_dim3A_5 : vector<16xf32> to vector<1x16xf32>
    tpu.vector_store %arg7[%swap3A_829, %swap3A_830], %swap3A_833 {strides = array<i32>} : memref<16x128xf32, #tpu.memory_space<vmem>>, vector<1x16xf32>,
    %swap3A_834 = arith.constant 15 : i32
    %swap3A_835 = arith.index_cast %swap3A_834 : i32 to index
    %swap3A_836 = arith.constant 0 : index
    %swap3A_837 = tpu.vector_load %arg7[%swap3A_835, %swap3A_836] {strides = array<i32>} : memref<16x128xf32, #tpu.memory_space<vmem>>, vector<1x16xf32>,
    %swap3A_838 = vector.shape_cast %swap3A_837 : vector<1x16xf32> to vector<16xf32>
    %swap3A_839 = vector.shape_cast %broadcast_in_dim3A_5 : vector<16xf32> to vector<1x16xf32>
    tpu.vector_store %arg7[%swap3A_835, %swap3A_836], %swap3A_839 {strides = array<i32>} : memref<16x128xf32, #tpu.memory_space<vmem>>, vector<1x16xf32>,
    %swap3A_840 = arith.constant 15 : i32
    %swap3A_841 = arith.index_cast %swap3A_840 : i32 to index
    %swap3A_842 = arith.constant 16 : index
    %swap3A_843 = tpu.vector_load %arg7[%swap3A_841, %swap3A_842] {strides = array<i32>} : memref<16x128xf32, #tpu.memory_space<vmem>>, vector<1x16xf32>,
    %swap3A_844 = vector.shape_cast %swap3A_843 : vector<1x16xf32> to vector<16xf32>
    %swap3A_845 = vector.shape_cast %broadcast_in_dim3A_5 : vector<16xf32> to vector<1x16xf32>
    tpu.vector_store %arg7[%swap3A_841, %swap3A_842], %swap3A_845 {strides = array<i32>} : memref<16x128xf32, #tpu.memory_space<vmem>>, vector<1x16xf32>,
    %swap3A_846 = arith.constant 15 : i32
    %swap3A_847 = arith.index_cast %swap3A_846 : i32 to index
    %swap3A_848 = arith.constant 32 : index
    %swap3A_849 = tpu.vector_load %arg7[%swap3A_847, %swap3A_848] {strides = array<i32>} : memref<16x128xf32, #tpu.memory_space<vmem>>, vector<1x16xf32>,
    %swap3A_850 = vector.shape_cast %swap3A_849 : vector<1x16xf32> to vector<16xf32>
    %swap3A_851 = vector.shape_cast %broadcast_in_dim3A_5 : vector<16xf32> to vector<1x16xf32>
    tpu.vector_store %arg7[%swap3A_847, %swap3A_848], %swap3A_851 {strides = array<i32>} : memref<16x128xf32, #tpu.memory_space<vmem>>, vector<1x16xf32>,
    %swap3A_852 = arith.constant 15 : i32
    %swap3A_853 = arith.index_cast %swap3A_852 : i32 to index
    %swap3A_854 = arith.constant 48 : index
    %swap3A_855 = tpu.vector_load %arg7[%swap3A_853, %swap3A_854] {strides = array<i32>} : memref<16x128xf32, #tpu.memory_space<vmem>>, vector<1x16xf32>,
    %swap3A_856 = vector.shape_cast %swap3A_855 : vector<1x16xf32> to vector<16xf32>
    %swap3A_857 = vector.shape_cast %broadcast_in_dim3A_5 : vector<16xf32> to vector<1x16xf32>
    tpu.vector_store %arg7[%swap3A_853, %swap3A_854], %swap3A_857 {strides = array<i32>} : memref<16x128xf32, #tpu.memory_space<vmem>>, vector<1x16xf32>,
    %swap3A_858 = arith.constant 15 : i32
    %swap3A_859 = arith.index_cast %swap3A_858 : i32 to index
    %swap3A_860 = arith.constant 64 : index
    %swap3A_861 = tpu.vector_load %arg7[%swap3A_859, %swap3A_860] {strides = array<i32>} : memref<16x128xf32, #tpu.memory_space<vmem>>, vector<1x16xf32>,
    %swap3A_862 = vector.shape_cast %swap3A_861 : vector<1x16xf32> to vector<16xf32>
    %swap3A_863 = vector.shape_cast %broadcast_in_dim3A_5 : vector<16xf32> to vector<1x16xf32>
    tpu.vector_store %arg7[%swap3A_859, %swap3A_860], %swap3A_863 {strides = array<i32>} : memref<16x128xf32, #tpu.memory_space<vmem>>, vector<1x16xf32>,
    %swap3A_864 = arith.constant 15 : i32
    %swap3A_865 = arith.index_cast %swap3A_864 : i32 to index
    %swap3A_866 = arith.constant 80 : index
    %swap3A_867 = tpu.vector_load %arg7[%swap3A_865, %swap3A_866] {strides = array<i32>} : memref<16x128xf32, #tpu.memory_space<vmem>>, vector<1x16xf32>,
    %swap3A_868 = vector.shape_cast %swap3A_867 : vector<1x16xf32> to vector<16xf32>
    %swap3A_869 = vector.shape_cast %broadcast_in_dim3A_5 : vector<16xf32> to vector<1x16xf32>
    tpu.vector_store %arg7[%swap3A_865, %swap3A_866], %swap3A_869 {strides = array<i32>} : memref<16x128xf32, #tpu.memory_space<vmem>>, vector<1x16xf32>,
    %swap3A_870 = arith.constant 15 : i32
    %swap3A_871 = arith.index_cast %swap3A_870 : i32 to index
    %swap3A_872 = arith.constant 96 : index
    %swap3A_873 = tpu.vector_load %arg7[%swap3A_871, %swap3A_872] {strides = array<i32>} : memref<16x128xf32, #tpu.memory_space<vmem>>, vector<1x16xf32>,
    %swap3A_874 = vector.shape_cast %swap3A_873 : vector<1x16xf32> to vector<16xf32>
    %swap3A_875 = vector.shape_cast %broadcast_in_dim3A_5 : vector<16xf32> to vector<1x16xf32>
    tpu.vector_store %arg7[%swap3A_871, %swap3A_872], %swap3A_875 {strides = array<i32>} : memref<16x128xf32, #tpu.memory_space<vmem>>, vector<1x16xf32>,
    %swap3A_876 = arith.constant 15 : i32
    %swap3A_877 = arith.index_cast %swap3A_876 : i32 to index
    %swap3A_878 = arith.constant 112 : index
    %swap3A_879 = tpu.vector_load %arg7[%swap3A_877, %swap3A_878] {strides = array<i32>} : memref<16x128xf32, #tpu.memory_space<vmem>>, vector<1x16xf32>,
    %swap3A_880 = vector.shape_cast %swap3A_879 : vector<1x16xf32> to vector<16xf32>
    %swap3A_881 = vector.shape_cast %broadcast_in_dim3A_5 : vector<16xf32> to vector<1x16xf32>
    tpu.vector_store %arg7[%swap3A_877, %swap3A_878], %swap3A_881 {strides = array<i32>} : memref<16x128xf32, #tpu.memory_space<vmem>>, vector<1x16xf32>,
    "tpu.region"() ({
      %run_scoped3A = tpu.sem_alloc : memref<!tpu.dma_semaphore, #tpu.memory_space<semaphore_mem>>
      %dma_start3A_945 = arith.constant 0 : i32
      %dma_start3A_946 = tpu.memref_slice %arg8[%mul3A_11, %dma_start3A_945] : memref<256x128xf32, #tpu.memory_space<vmem_shared>> -> memref<16x128xf32, #tpu.memory_space<vmem_shared>>
      %dma_start3A_947 = arith.constant 0 : i32
      %dma_start3A_948 = tpu.memref_slice %arg8[%mul3A_11, %dma_start3A_947] : memref<256x128xf32, #tpu.memory_space<vmem_shared>> -> memref<16x128xf32, #tpu.memory_space<vmem_shared>>
      tpu.enqueue_dma source(%arg7 : memref<16x128xf32, #tpu.memory_space<vmem>>) target(%dma_start3A_948 : memref<16x128xf32, #tpu.memory_space<vmem_shared>>) target_semaphore(%run_scoped3A : memref<!tpu.dma_semaphore, #tpu.memory_space<semaphore_mem>>)
      %dma_wait3A_949 = arith.constant 0 : i32
      %dma_wait3A_950 = tpu.memref_slice %arg8[%mul3A_11, %dma_wait3A_949] : memref<256x128xf32, #tpu.memory_space<vmem_shared>> -> memref<16x128xf32, #tpu.memory_space<vmem_shared>>
      %dma_wait3A_951 = arith.constant 0 : i32
      %dma_wait3A_952 = tpu.memref_slice %arg8[%mul3A_11, %dma_wait3A_951] : memref<256x128xf32, #tpu.memory_space<vmem_shared>> -> memref<16x128xf32, #tpu.memory_space<vmem_shared>>
      tpu.wait_dma2 semaphore(%run_scoped3A : memref<!tpu.dma_semaphore, #tpu.memory_space<semaphore_mem>>) src(%arg7 : memref<16x128xf32, #tpu.memory_space<vmem>>) dst(%dma_wait3A_952 : memref<16x128xf32, #tpu.memory_space<vmem_shared>>)
      tpu.yield
    }) : () -> ()
    %add3A_882 = arith.constant 0 : i32
    %add3A_883 = arith.addi %add3A_4, %add3A_882 : i32
    %dma_start3A = arith.constant 0 : i32
    %dma_start3A_884 = arith.constant 0 : i32
    %dma_start3A_885 = arith.constant 0 : i32
    %dma_start3A_886 = arith.constant 0 : i32
    %dma_start3A_887 = tpu.memref_slice %arg5[%dma_start3A, %dma_start3A_885, %dma_start3A_886] : memref<2x128x128xf32, #tpu.memory_space<vmem>> -> memref<1x128x128xf32, #tpu.memory_space<vmem>>
    %dma_start3A_888 = tpu.memref_squeeze %dma_start3A_887 : memref<1x128x128xf32, #tpu.memory_space<vmem>> -> memref<128x128xf32, #tpu.memory_space<vmem>>
    %dma_start3A_889 = arith.constant 0 : i32
    %dma_start3A_890 = tpu.memref_slice %arg2[%add3A_883, %dma_start3A_889] : memref<32768x128xf32, #tpu.memory_space<hbm>> -> memref<128x128xf32, #tpu.memory_space<hbm>>
    %dma_start3A_891 = tpu.memref_slice %arg9[%dma_start3A_884] : memref<2x!tpu.dma_semaphore, #tpu.memory_space<semaphore_mem>> -> memref<1x!tpu.dma_semaphore, #tpu.memory_space<semaphore_mem>>
    %dma_start3A_892 = tpu.memref_squeeze %dma_start3A_891 : memref<1x!tpu.dma_semaphore, #tpu.memory_space<semaphore_mem>> -> memref<!tpu.dma_semaphore, #tpu.memory_space<semaphore_mem>>
    %dma_start3A_893 = arith.constant 0 : i32
    %dma_start3A_894 = arith.constant 0 : i32
    %dma_start3A_895 = tpu.memref_slice %arg5[%dma_start3A, %dma_start3A_893, %dma_start3A_894] : memref<2x128x128xf32, #tpu.memory_space<vmem>> -> memref<1x128x128xf32, #tpu.memory_space<vmem>>
    %dma_start3A_896 = tpu.memref_squeeze %dma_start3A_895 : memref<1x128x128xf32, #tpu.memory_space<vmem>> -> memref<128x128xf32, #tpu.memory_space<vmem>>
    %dma_start3A_897 = arith.constant 0 : i32
    %dma_start3A_898 = tpu.memref_slice %arg2[%add3A_883, %dma_start3A_897] : memref<32768x128xf32, #tpu.memory_space<hbm>> -> memref<128x128xf32, #tpu.memory_space<hbm>>
    tpu.enqueue_dma source(%dma_start3A_898 : memref<128x128xf32, #tpu.memory_space<hbm>>) target(%dma_start3A_896 : memref<128x128xf32, #tpu.memory_space<vmem>>) target_semaphore(%dma_start3A_892 : memref<!tpu.dma_semaphore, #tpu.memory_space<semaphore_mem>>)
    %dma_wait3A = arith.constant 0 : i32
    %dma_wait3A_899 = arith.constant 0 : i32
    %dma_wait3A_900 = arith.constant 0 : i32
    %dma_wait3A_901 = arith.constant 0 : i32
    %dma_wait3A_902 = tpu.memref_slice %arg5[%dma_wait3A, %dma_wait3A_900, %dma_wait3A_901] : memref<2x128x128xf32, #tpu.memory_space<vmem>> -> memref<1x128x128xf32, #tpu.memory_space<vmem>>
    %dma_wait3A_903 = tpu.memref_squeeze %dma_wait3A_902 : memref<1x128x128xf32, #tpu.memory_space<vmem>> -> memref<128x128xf32, #tpu.memory_space<vmem>>
    %dma_wait3A_904 = arith.constant 0 : i32
    %dma_wait3A_905 = tpu.memref_slice %arg2[%add3A_883, %dma_wait3A_904] : memref<32768x128xf32, #tpu.memory_space<hbm>> -> memref<128x128xf32, #tpu.memory_space<hbm>>
    %dma_wait3A_906 = tpu.memref_slice %arg9[%dma_wait3A_899] : memref<2x!tpu.dma_semaphore, #tpu.memory_space<semaphore_mem>> -> memref<1x!tpu.dma_semaphore, #tpu.memory_space<semaphore_mem>>
    %dma_wait3A_907 = tpu.memref_squeeze %dma_wait3A_906 : memref<1x!tpu.dma_semaphore, #tpu.memory_space<semaphore_mem>> -> memref<!tpu.dma_semaphore, #tpu.memory_space<semaphore_mem>>
    %dma_wait3A_908 = arith.constant 0 : i32
    %dma_wait3A_909 = arith.constant 0 : i32
    %dma_wait3A_910 = tpu.memref_slice %arg5[%dma_wait3A, %dma_wait3A_908, %dma_wait3A_909] : memref<2x128x128xf32, #tpu.memory_space<vmem>> -> memref<1x128x128xf32, #tpu.memory_space<vmem>>
    %dma_wait3A_911 = tpu.memref_squeeze %dma_wait3A_910 : memref<1x128x128xf32, #tpu.memory_space<vmem>> -> memref<128x128xf32, #tpu.memory_space<vmem>>
    %dma_wait3A_912 = arith.constant 0 : i32
    %dma_wait3A_913 = tpu.memref_slice %arg2[%add3A_883, %dma_wait3A_912] : memref<32768x128xf32, #tpu.memory_space<hbm>> -> memref<128x128xf32, #tpu.memory_space<hbm>>
    tpu.wait_dma2 semaphore(%dma_wait3A_907 : memref<!tpu.dma_semaphore, #tpu.memory_space<semaphore_mem>>) src(%dma_wait3A_913 : memref<128x128xf32, #tpu.memory_space<hbm>>) dst(%dma_wait3A_911 : memref<128x128xf32, #tpu.memory_space<vmem>>)
    %dma_start3A_914 = arith.constant 0 : i32
    %dma_start3A_915 = arith.constant 0 : i32
    %dma_start3A_916 = arith.constant 0 : i32
    %dma_start3A_917 = arith.constant 0 : i32
    %dma_start3A_918 = arith.constant 0 : i32
    %dma_start3A_919 = tpu.memref_slice %arg5[%dma_start3A_914, %dma_start3A_917, %dma_start3A_918] : memref<2x128x128xf32, #tpu.memory_space<vmem>> -> memref<1x128x128xf32, #tpu.memory_space<vmem>>
    %dma_start3A_920 = tpu.memref_squeeze %dma_start3A_919 : memref<1x128x128xf32, #tpu.memory_space<vmem>> -> memref<128x128xf32, #tpu.memory_space<vmem>>
    %dma_start3A_921 = arith.constant 0 : i32
    %dma_start3A_922 = tpu.memref_slice %arg6[%dma_start3A_915, %dma_start3A_921] : memref<1x128xi32, #tpu.memory_space<vmem>> -> memref<1x128xi32, #tpu.memory_space<vmem>>
    %dma_start3A_923 = tpu.memref_squeeze %dma_start3A_922 : memref<1x128xi32, #tpu.memory_space<vmem>> -> memref<128xi32, #tpu.memory_space<vmem>>
    %dma_start3A_924 = arith.constant 0 : i32
    %dma_start3A_925 = arith.constant 0 : i32
    %dma_start3A_926 = tpu.memref_slice %arg8[%dma_start3A_924, %dma_start3A_925] : memref<256x128xf32, #tpu.memory_space<vmem_shared>> -> memref<256x128xf32, #tpu.memory_space<vmem_shared>>
    %dma_start3A_927 = tpu.memref_slice %arg10[%dma_start3A_916] : memref<2x!tpu.dma_semaphore, #tpu.memory_space<semaphore_mem>> -> memref<1x!tpu.dma_semaphore, #tpu.memory_space<semaphore_mem>>
    %dma_start3A_928 = tpu.memref_squeeze %dma_start3A_927 : memref<1x!tpu.dma_semaphore, #tpu.memory_space<semaphore_mem>> -> memref<!tpu.dma_semaphore, #tpu.memory_space<semaphore_mem>>
    tpu.enqueue_indirect_dma source(%dma_start3A_920 : memref<128x128xf32, #tpu.memory_space<vmem>>) target(%dma_start3A_926 : memref<256x128xf32, #tpu.memory_space<vmem_shared>>) offsets(%dma_start3A_923 : memref<128xi32, #tpu.memory_space<vmem>>) semaphore(%dma_start3A_928 : memref<!tpu.dma_semaphore, #tpu.memory_space<semaphore_mem>>) {add = true}
    %dma_wait3A_929 = arith.constant 0 : i32
    %dma_wait3A_930 = arith.constant 0 : i32
    %dma_wait3A_931 = arith.constant 0 : i32
    %dma_wait3A_932 = arith.constant 0 : i32
    %dma_wait3A_933 = arith.constant 0 : i32
    %dma_wait3A_934 = tpu.memref_slice %arg5[%dma_wait3A_929, %dma_wait3A_932, %dma_wait3A_933] : memref<2x128x128xf32, #tpu.memory_space<vmem>> -> memref<1x128x128xf32, #tpu.memory_space<vmem>>
    %dma_wait3A_935 = tpu.memref_squeeze %dma_wait3A_934 : memref<1x128x128xf32, #tpu.memory_space<vmem>> -> memref<128x128xf32, #tpu.memory_space<vmem>>
    %dma_wait3A_936 = arith.constant 0 : i32
    %dma_wait3A_937 = tpu.memref_slice %arg6[%dma_wait3A_930, %dma_wait3A_936] : memref<1x128xi32, #tpu.memory_space<vmem>> -> memref<1x128xi32, #tpu.memory_space<vmem>>
    %dma_wait3A_938 = tpu.memref_squeeze %dma_wait3A_937 : memref<1x128xi32, #tpu.memory_space<vmem>> -> memref<128xi32, #tpu.memory_space<vmem>>
    %dma_wait3A_939 = arith.constant 0 : i32
    %dma_wait3A_940 = arith.constant 0 : i32
    %dma_wait3A_941 = tpu.memref_slice %arg8[%dma_wait3A_939, %dma_wait3A_940] : memref<256x128xf32, #tpu.memory_space<vmem_shared>> -> memref<256x128xf32, #tpu.memory_space<vmem_shared>>
    %dma_wait3A_942 = tpu.memref_slice %arg10[%dma_wait3A_931] : memref<2x!tpu.dma_semaphore, #tpu.memory_space<semaphore_mem>> -> memref<1x!tpu.dma_semaphore, #tpu.memory_space<semaphore_mem>>
    %dma_wait3A_943 = tpu.memref_squeeze %dma_wait3A_942 : memref<1x!tpu.dma_semaphore, #tpu.memory_space<semaphore_mem>> -> memref<!tpu.dma_semaphore, #tpu.memory_space<semaphore_mem>>
    tpu.wait_indirect_dma semaphore(%dma_wait3A_943 : memref<!tpu.dma_semaphore, #tpu.memory_space<semaphore_mem>>) src(%dma_wait3A_935 : memref<128x128xf32, #tpu.memory_space<vmem>>) dst(%dma_wait3A_941 : memref<256x128xf32, #tpu.memory_space<vmem_shared>>)
    %barrier3A = arith.constant 0 : index
    tpu.barrier barrier_id(%barrier3A)
    %barrier3A_944 = arith.constant 0 : index
    tpu.barrier barrier_id(%barrier3A_944)
    "tpu.region"() ({
      %run_scoped3A = tpu.sem_alloc : memref<!tpu.dma_semaphore, #tpu.memory_space<semaphore_mem>>
      %dma_start3A_945 = arith.constant 0 : i32
      %dma_start3A_946 = tpu.memref_slice %arg8[%mul3A_11, %dma_start3A_945] : memref<256x128xf32, #tpu.memory_space<vmem_shared>> -> memref<16x128xf32, #tpu.memory_space<vmem_shared>>
      %dma_start3A_947 = arith.constant 0 : i32
      %dma_start3A_948 = tpu.memref_slice %arg8[%mul3A_11, %dma_start3A_947] : memref<256x128xf32, #tpu.memory_space<vmem_shared>> -> memref<16x128xf32, #tpu.memory_space<vmem_shared>>
      tpu.enqueue_dma source(%dma_start3A_948 : memref<16x128xf32, #tpu.memory_space<vmem_shared>>) target(%arg7 : memref<16x128xf32, #tpu.memory_space<vmem>>) target_semaphore(%run_scoped3A : memref<!tpu.dma_semaphore, #tpu.memory_space<semaphore_mem>>)
      %dma_wait3A_949 = arith.constant 0 : i32
      %dma_wait3A_950 = tpu.memref_slice %arg8[%mul3A_11, %dma_wait3A_949] : memref<256x128xf32, #tpu.memory_space<vmem_shared>> -> memref<16x128xf32, #tpu.memory_space<vmem_shared>>
      %dma_wait3A_951 = arith.constant 0 : i32
      %dma_wait3A_952 = tpu.memref_slice %arg8[%mul3A_11, %dma_wait3A_951] : memref<256x128xf32, #tpu.memory_space<vmem_shared>> -> memref<16x128xf32, #tpu.memory_space<vmem_shared>>
      tpu.wait_dma2 semaphore(%run_scoped3A : memref<!tpu.dma_semaphore, #tpu.memory_space<semaphore_mem>>) src(%dma_wait3A_952 : memref<16x128xf32, #tpu.memory_space<vmem_shared>>) dst(%arg7 : memref<16x128xf32, #tpu.memory_space<vmem>>)
      tpu.yield
    }) : () -> ()
    "tpu.region"() ({
      %run_scoped3A = tpu.sem_alloc : memref<!tpu.dma_semaphore, #tpu.memory_space<semaphore_mem>>
      %dma_start3A_945 = arith.constant 0 : i32
      %dma_start3A_946 = arith.constant 0 : i32
      %dma_start3A_947 = tpu.memref_slice %arg4[%add3A, %dma_start3A_945, %dma_start3A_946] : memref<32x16x128xf32, #tpu.memory_space<hbm>> -> memref<1x16x128xf32, #tpu.memory_space<hbm>>
      %dma_start3A_948 = tpu.memref_squeeze %dma_start3A_947 : memref<1x16x128xf32, #tpu.memory_space<hbm>> -> memref<16x128xf32, #tpu.memory_space<hbm>>
      %dma_start3A_949 = arith.constant 0 : i32
      %dma_start3A_950 = arith.constant 0 : i32
      %dma_start3A_951 = tpu.memref_slice %arg4[%add3A, %dma_start3A_949, %dma_start3A_950] : memref<32x16x128xf32, #tpu.memory_space<hbm>> -> memref<1x16x128xf32, #tpu.memory_space<hbm>>
      %dma_start3A_952 = tpu.memref_squeeze %dma_start3A_951 : memref<1x16x128xf32, #tpu.memory_space<hbm>> -> memref<16x128xf32, #tpu.memory_space<hbm>>
      tpu.enqueue_dma source(%arg7 : memref<16x128xf32, #tpu.memory_space<vmem>>) target(%dma_start3A_952 : memref<16x128xf32, #tpu.memory_space<hbm>>) target_semaphore(%run_scoped3A : memref<!tpu.dma_semaphore, #tpu.memory_space<semaphore_mem>>)
      %dma_wait3A_953 = arith.constant 0 : i32
      %dma_wait3A_954 = arith.constant 0 : i32
      %dma_wait3A_955 = tpu.memref_slice %arg4[%add3A, %dma_wait3A_953, %dma_wait3A_954] : memref<32x16x128xf32, #tpu.memory_space<hbm>> -> memref<1x16x128xf32, #tpu.memory_space<hbm>>
      %dma_wait3A_956 = tpu.memref_squeeze %dma_wait3A_955 : memref<1x16x128xf32, #tpu.memory_space<hbm>> -> memref<16x128xf32, #tpu.memory_space<hbm>>
      %dma_wait3A_957 = arith.constant 0 : i32
      %dma_wait3A_958 = arith.constant 0 : i32
      %dma_wait3A_959 = tpu.memref_slice %arg4[%add3A, %dma_wait3A_957, %dma_wait3A_958] : memref<32x16x128xf32, #tpu.memory_space<hbm>> -> memref<1x16x128xf32, #tpu.memory_space<hbm>>
      %dma_wait3A_960 = tpu.memref_squeeze %dma_wait3A_959 : memref<1x16x128xf32, #tpu.memory_space<hbm>> -> memref<16x128xf32, #tpu.memory_space<hbm>>
      tpu.wait_dma2 semaphore(%run_scoped3A : memref<!tpu.dma_semaphore, #tpu.memory_space<semaphore_mem>>) src(%arg7 : memref<16x128xf32, #tpu.memory_space<vmem>>) dst(%dma_wait3A_960 : memref<16x128xf32, #tpu.memory_space<hbm>>)
      tpu.yield
    }) : () -> ()
    return
  }
}

module attributes {stable_mosaic.version = 14 : i64} {
  func.func @_tc_finish(%arg0: memref<32x16x128xf32, #tpu.memory_space<vmem>>, %arg1: memref<16x128xf32, #tpu.memory_space<vmem>>, %arg2: memref<16x128xf32, #tpu.memory_space<vmem>>, %arg3: memref<128x128xf32, #tpu.memory_space<vmem>>, %arg4: memref<1x128xf32, #tpu.memory_space<vmem>>, %arg5: memref<128x128xf32, #tpu.memory_space<vmem>>, %arg6: memref<128x128xf32, #tpu.memory_space<vmem>>, %arg7: memref<16x128xf32, #tpu.memory_space<vmem>>, %arg8: memref<16x128xf32, #tpu.memory_space<vmem>>, %arg9: memref<16x128xf32, #tpu.memory_space<vmem>>) attributes {dimension_semantics = [], scalar_prefetch = 0 : i64, scratch_operands = 0 : i64, tpu.core_type = #tpu.core_type<tc>} {
    %get3A = arith.constant 0 : index
    %get3A_0 = arith.constant 0 : index
    %get3A_1 = arith.constant 0 : index
    %get3A_2 = vector.load %arg0[%get3A, %get3A_0, %get3A_1] : memref<32x16x128xf32, #tpu.memory_space<vmem>>, vector<32x16x128xf32>
    %reduce_sum3A = arith.constant dense<0.000000e+00> : vector<16x128xf32>
    %reduce_sum3A_3 = vector.multi_reduction <add>, %get3A_2, %reduce_sum3A [0] : vector<32x16x128xf32> to vector<16x128xf32>
    %get3A_4 = arith.constant 0 : index
    %get3A_5 = arith.constant 0 : index
    %get3A_6 = vector.load %arg1[%get3A_4, %get3A_5] : memref<16x128xf32, #tpu.memory_space<vmem>>, vector<16x128xf32>
    %add3A = arith.addf %reduce_sum3A_3, %get3A_6 : vector<16x128xf32>
    %get3A_7 = arith.constant 0 : index
    %get3A_8 = arith.constant 0 : index
    %get3A_9 = vector.load %arg2[%get3A_7, %get3A_8] : memref<16x128xf32, #tpu.memory_space<vmem>>, vector<16x128xf32>
    %max3A = arith.constant 1.000000e+00 : f32
    %max3A_10 = vector.broadcast %max3A : f32 to vector<16x128xf32>
    %max3A_11 = arith.maximumf %get3A_9, %max3A_10 : vector<16x128xf32>
    %get3A_12 = arith.constant 0 : index
    %get3A_13 = arith.constant 0 : index
    %get3A_14 = vector.load %arg3[%get3A_12, %get3A_13] : memref<128x128xf32, #tpu.memory_space<vmem>>, vector<128x128xf32>
    %dot_general3A = arith.constant dense<0.000000e+00> : vector<16x128xf32>
    %dot_general3A_15 = tpu.matmul %add3A, %get3A_14, %dot_general3A {dimension_numbers = #tpu.dot_dimension_numbers<[1], [0], [0], [1], [0, 0, 1, 1], [], []>, transpose_lhs_hint = false} : vector<16x128xf32>, vector<128x128xf32>, vector<16x128xf32> -> vector<16x128xf32>
    %get3A_16 = arith.constant 0 : index
    %get3A_17 = arith.constant 0 : index
    %get3A_18 = vector.load %arg4[%get3A_16, %get3A_17] : memref<1x128xf32, #tpu.memory_space<vmem>>, vector<1x128xf32>
    %mul3A = vector.broadcast %get3A_18 : vector<1x128xf32> to vector<16x128xf32>
    %mul3A_19 = arith.mulf %get3A_9, %mul3A : vector<16x128xf32>
    %add3A_20 = arith.addf %dot_general3A_15, %mul3A_19 : vector<16x128xf32>
    %div3A = arith.divf %add3A_20, %max3A_11 : vector<16x128xf32>
    %swap3A = arith.constant 0 : index
    %swap3A_21 = arith.constant 0 : index
    %swap3A_22 = vector.load %arg7[%swap3A, %swap3A_21] : memref<16x128xf32, #tpu.memory_space<vmem>>, vector<16x128xf32>
    tpu.vector_store %arg7[%swap3A, %swap3A_21], %div3A {strides = array<i32>} : memref<16x128xf32, #tpu.memory_space<vmem>>, vector<16x128xf32>,
    %get3A_23 = arith.constant 0 : index
    %get3A_24 = arith.constant 0 : index
    %get3A_25 = vector.load %arg5[%get3A_23, %get3A_24] : memref<128x128xf32, #tpu.memory_space<vmem>>, vector<128x128xf32>
    %dot_general3A_26 = arith.constant dense<0.000000e+00> : vector<16x128xf32>
    %dot_general3A_27 = tpu.matmul %div3A, %get3A_25, %dot_general3A_26 {dimension_numbers = #tpu.dot_dimension_numbers<[1], [0], [0], [1], [0, 0, 1, 1], [], []>, transpose_lhs_hint = false} : vector<16x128xf32>, vector<128x128xf32>, vector<16x128xf32> -> vector<16x128xf32>
    %swap3A_28 = arith.constant 0 : index
    %swap3A_29 = arith.constant 0 : index
    %swap3A_30 = vector.load %arg8[%swap3A_28, %swap3A_29] : memref<16x128xf32, #tpu.memory_space<vmem>>, vector<16x128xf32>
    tpu.vector_store %arg8[%swap3A_28, %swap3A_29], %dot_general3A_27 {strides = array<i32>} : memref<16x128xf32, #tpu.memory_space<vmem>>, vector<16x128xf32>,
    %get3A_31 = arith.constant 0 : index
    %get3A_32 = arith.constant 0 : index
    %get3A_33 = vector.load %arg6[%get3A_31, %get3A_32] : memref<128x128xf32, #tpu.memory_space<vmem>>, vector<128x128xf32>
    %dot_general3A_34 = arith.constant dense<0.000000e+00> : vector<16x128xf32>
    %dot_general3A_35 = tpu.matmul %div3A, %get3A_33, %dot_general3A_34 {dimension_numbers = #tpu.dot_dimension_numbers<[1], [0], [0], [1], [0, 0, 1, 1], [], []>, transpose_lhs_hint = false} : vector<16x128xf32>, vector<128x128xf32>, vector<16x128xf32> -> vector<16x128xf32>
    %swap3A_36 = arith.constant 0 : index
    %swap3A_37 = arith.constant 0 : index
    %swap3A_38 = vector.load %arg9[%swap3A_36, %swap3A_37] : memref<16x128xf32, #tpu.memory_space<vmem>>, vector<16x128xf32>
    tpu.vector_store %arg9[%swap3A_36, %swap3A_37], %dot_general3A_35 {strides = array<i32>} : memref<16x128xf32, #tpu.memory_space<vmem>>, vector<16x128xf32>,
    return
  }
}

module attributes {stable_mosaic.version = 14 : i64} {
  func.func @_tc_partial(%arg0: i32, %arg1: memref<1x1x4096xi32, #tpu.memory_space<vmem>>, %arg2: memref<4096x128xf32, #tpu.memory_space<vmem>>, %arg3: memref<16x128xf32, #tpu.memory_space<vmem>>, %arg4: memref<16x128xf32, #tpu.memory_space<vmem>>, %arg5: memref<16x128xf32, #tpu.memory_space<vmem>>, %arg6: memref<16x128xf32, #tpu.memory_space<vmem>>) attributes {dimension_semantics = [#tpu.dimension_semantics<arbitrary>], iteration_bounds = array<i64: 8>, scalar_prefetch = 0 : i64, scratch_operands = 2 : i64, tpu.core_type = #tpu.core_type<tc>, window_params = [{transform_indices = @transform_0, window_bounds = array<i64: 1, 1, 4096>}, {transform_indices = @transform_1, window_bounds = array<i64: 4096, 128>}, {pipeline_mode = #tpu.pipeline_mode<synchronous>, transform_indices = @transform_2, window_bounds = array<i64: 16, 128>}, {pipeline_mode = #tpu.pipeline_mode<synchronous>, transform_indices = @transform_3, window_bounds = array<i64: 16, 128>}]} {
    %eq3A = arith.constant 0 : i32
    %eq3A_0 = arith.cmpi eq, %arg0, %eq3A : i32
    %convert_element_type3A = arith.extui %eq3A_0 : i1 to i32
    %cond3A = arith.constant 0 : i32
    %cond3A_1 = arith.cmpi ne, %convert_element_type3A, %cond3A : i32
    scf.if %cond3A_1 {
      %broadcast_in_dim3A_28 = arith.constant 0.000000e+00 : f32
      %broadcast_in_dim3A_29 = vector.broadcast %broadcast_in_dim3A_28 : f32 to vector<16x128xf32>
      %swap3A_30 = arith.constant 0 : index
      %swap3A_31 = arith.constant 0 : index
      %swap3A_32 = vector.load %arg5[%swap3A_30, %swap3A_31] : memref<16x128xf32, #tpu.memory_space<vmem>>, vector<16x128xf32>
      tpu.vector_store %arg5[%swap3A_30, %swap3A_31], %broadcast_in_dim3A_29 {strides = array<i32>} : memref<16x128xf32, #tpu.memory_space<vmem>>, vector<16x128xf32>,
      %broadcast_in_dim3A_33 = arith.constant 0.000000e+00 : f32
      %broadcast_in_dim3A_34 = vector.broadcast %broadcast_in_dim3A_33 : f32 to vector<16x128xf32>
      %swap3A_35 = arith.constant 0 : index
      %swap3A_36 = arith.constant 0 : index
      %swap3A_37 = vector.load %arg6[%swap3A_35, %swap3A_36] : memref<16x128xf32, #tpu.memory_space<vmem>>, vector<16x128xf32>
      tpu.vector_store %arg6[%swap3A_35, %swap3A_36], %broadcast_in_dim3A_34 {strides = array<i32>} : memref<16x128xf32, #tpu.memory_space<vmem>>, vector<16x128xf32>,
    } else {
    }
    %get3A = arith.constant 0 : index
    %get3A_2 = arith.constant 0 : index
    %get3A_3 = arith.constant 0 : index
    %get3A_4 = vector.load %arg1[%get3A, %get3A_2, %get3A_3] : memref<1x1x4096xi32, #tpu.memory_space<vmem>>, vector<1x1x4096xi32>
    %get3A_5 = vector.shape_cast %get3A_4 : vector<1x1x4096xi32> to vector<1x4096xi32>
    %iota3A = tpu.iota {dimensions = array<i32: 0>} : vector<16x4096xi32>
    %broadcast_in_dim3A = vector.shape_cast %get3A_5 : vector<1x4096xi32> to vector<1x4096xi32>
    %broadcast_in_dim3A_6 = vector.broadcast %broadcast_in_dim3A : vector<1x4096xi32> to vector<16x4096xi32>
    %eq3A_7 = arith.cmpi eq, %iota3A, %broadcast_in_dim3A_6 : vector<16x4096xi32>
    %convert_element_type3A_8 = arith.extui %eq3A_7 : vector<16x4096xi1> to vector<16x4096xi32>
    %convert_element_type3A_9 = arith.sitofp %convert_element_type3A_8 : vector<16x4096xi32> to vector<16x4096xf32>
    %get3A_10 = arith.constant 0 : index
    %get3A_11 = arith.constant 0 : index
    %get3A_12 = vector.load %arg5[%get3A_10, %get3A_11] : memref<16x128xf32, #tpu.memory_space<vmem>>, vector<16x128xf32>
    %reduce_sum3A = arith.constant dense<0.000000e+00> : vector<16xf32>
    %reduce_sum3A_13 = vector.multi_reduction <add>, %convert_element_type3A_9, %reduce_sum3A [1] : vector<16x4096xf32> to vector<16xf32>
    %broadcast_in_dim3A_14 = vector.shape_cast %reduce_sum3A_13 : vector<16xf32> to vector<16x1xf32>
    %broadcast_in_dim3A_15 = vector.shape_cast %broadcast_in_dim3A_14 : vector<16x1xf32> to vector<16x1xf32>
    %broadcast_in_dim3A_16 = vector.broadcast %broadcast_in_dim3A_15 : vector<16x1xf32> to vector<16x128xf32>
    %add3A = arith.addf %get3A_12, %broadcast_in_dim3A_16 : vector<16x128xf32>
    %swap3A = arith.constant 0 : index
    %swap3A_17 = arith.constant 0 : index
    %swap3A_18 = vector.load %arg5[%swap3A, %swap3A_17] : memref<16x128xf32, #tpu.memory_space<vmem>>, vector<16x128xf32>
    tpu.vector_store %arg5[%swap3A, %swap3A_17], %add3A {strides = array<i32>} : memref<16x128xf32, #tpu.memory_space<vmem>>, vector<16x128xf32>,
    %lt3A = arith.constant 7 : i32
    %lt3A_19 = arith.cmpi slt, %arg0, %lt3A : i32
    %convert_element_type3A_20 = arith.extui %lt3A_19 : i1 to i32
    %cond3A_21 = arith.constant 0 : i32
    %cond3A_22 = arith.cmpi ne, %convert_element_type3A_20, %cond3A_21 : i32
    scf.if %cond3A_22 {
      %get3A_28 = arith.constant 0 : index
      %get3A_29 = arith.constant 0 : index
      %get3A_30 = vector.load %arg6[%get3A_28, %get3A_29] : memref<16x128xf32, #tpu.memory_space<vmem>>, vector<16x128xf32>
      %get3A_31 = arith.constant 0 : index
      %get3A_32 = arith.constant 0 : index
      %get3A_33 = vector.load %arg2[%get3A_31, %get3A_32] : memref<4096x128xf32, #tpu.memory_space<vmem>>, vector<4096x128xf32>
      %dot_general3A = arith.constant dense<0.000000e+00> : vector<16x128xf32>
      %dot_general3A_34 = tpu.matmul %convert_element_type3A_9, %get3A_33, %dot_general3A {dimension_numbers = #tpu.dot_dimension_numbers<[1], [0], [0], [1], [0, 0, 1, 1], [], []>, transpose_lhs_hint = false} : vector<16x4096xf32>, vector<4096x128xf32>, vector<16x128xf32> -> vector<16x128xf32>
      %add3A_35 = arith.addf %get3A_30, %dot_general3A_34 : vector<16x128xf32>
      %swap3A_36 = arith.constant 0 : index
      %swap3A_37 = arith.constant 0 : index
      %swap3A_38 = vector.load %arg6[%swap3A_36, %swap3A_37] : memref<16x128xf32, #tpu.memory_space<vmem>>, vector<16x128xf32>
      tpu.vector_store %arg6[%swap3A_36, %swap3A_37], %add3A_35 {strides = array<i32>} : memref<16x128xf32, #tpu.memory_space<vmem>>, vector<16x128xf32>,
    } else {
    }
    %eq3A_23 = arith.constant 7 : i32
    %eq3A_24 = arith.cmpi eq, %arg0, %eq3A_23 : i32
    %convert_element_type3A_25 = arith.extui %eq3A_24 : i1 to i32
    %cond3A_26 = arith.constant 0 : i32
    %cond3A_27 = arith.cmpi ne, %convert_element_type3A_25, %cond3A_26 : i32
    scf.if %cond3A_27 {
      %get3A_28 = arith.constant 0 : index
      %get3A_29 = arith.constant 0 : index
      %get3A_30 = vector.load %arg5[%get3A_28, %get3A_29] : memref<16x128xf32, #tpu.memory_space<vmem>>, vector<16x128xf32>
      %swap3A_31 = arith.constant 0 : index
      %swap3A_32 = arith.constant 0 : index
      %swap3A_33 = vector.load %arg3[%swap3A_31, %swap3A_32] : memref<16x128xf32, #tpu.memory_space<vmem>>, vector<16x128xf32>
      tpu.vector_store %arg3[%swap3A_31, %swap3A_32], %get3A_30 {strides = array<i32>} : memref<16x128xf32, #tpu.memory_space<vmem>>, vector<16x128xf32>,
      %get3A_34 = arith.constant 0 : index
      %get3A_35 = arith.constant 0 : index
      %get3A_36 = vector.load %arg6[%get3A_34, %get3A_35] : memref<16x128xf32, #tpu.memory_space<vmem>>, vector<16x128xf32>
      %swap3A_37 = arith.constant 0 : index
      %swap3A_38 = arith.constant 0 : index
      %swap3A_39 = vector.load %arg4[%swap3A_37, %swap3A_38] : memref<16x128xf32, #tpu.memory_space<vmem>>, vector<16x128xf32>
      tpu.vector_store %arg4[%swap3A_37, %swap3A_38], %get3A_36 {strides = array<i32>} : memref<16x128xf32, #tpu.memory_space<vmem>>, vector<16x128xf32>,
    } else {
    }
    return
  }
  func.func @transform_0(%arg0: i32) -> (i32, i32, i32) {
    %c0_i32 = arith.constant 0 : i32
    %c0_i32_0 = arith.constant 0 : i32
    %c0_i32_1 = arith.constant 0 : i32
    return %arg0, %c0_i32, %c0_i32_0 : i32, i32, i32
  }
  func.func @transform_1(%arg0: i32) -> (i32, i32) {
    %min3A = arith.constant 6 : i32
    %min3A_0 = arith.minsi %arg0, %min3A : i32
    %c0_i32 = arith.constant 0 : i32
    %c0_i32_1 = arith.constant 0 : i32
    return %min3A_0, %c0_i32 : i32, i32
  }
  func.func @transform_2(%arg0: i32) -> (i32, i32) {
    %c0_i32 = arith.constant 0 : i32
    %c0_i32_0 = arith.constant 0 : i32
    %c0_i32_1 = arith.constant 0 : i32
    return %c0_i32, %c0_i32_0 : i32, i32
  }
  func.func @transform_3(%arg0: i32) -> (i32, i32) {
    %c0_i32 = arith.constant 0 : i32
    %c0_i32_0 = arith.constant 0 : i32
    %c0_i32_1 = arith.constant 0 : i32
    return %c0_i32, %c0_i32_0 : i32, i32
  }
}

</mosaic_0001>

<sc_bundles>
// kernel: kernel.5.cloned.1.call-start
scs
__scs_entry_jumppad:
0x0: {  	(pc) =	sbr.rel $0x88, $3  }
0x1: {  	(tag) =	ssettag $0x0;
	lr =	simm.s32 $0x1  }
0x2: {  	[smem:$0x3F9B] =	sst lr;
	_ =	strace $0xD0000000  }
0x3: {  	_ = 	snop  }
0x4: {  	_ = 	snop  }
0x5: {  	_ = 	snop  }
0x6: {  	_ = 	snop  }
0x7: {  	_ = 	snop  }
__scs_overlays_trampoline_lowered:
0x8: {  	[smem:$0x3FAA] =	sst s0  }
0x9: {  	[smem:$0x3FAB] =	sst s1  }
0xa: {  	[smem:$0x3FAC] =	sst s2  }
0xb: {  	[smem:$0x3FAD] =	sst s3  }
0xc: {  	[smem:$0x3FAE] =	sst s4  }
0xd: {  	[smem:$0x3FAF] =	sst s5  }
0xe: {  	[smem:$0x3FB0] =	sst s6  }
0xf: {  	[smem:$0x3FB1] =	sst s7  }
0x10: {  	[smem:$0x3FB2] =	sst s8  }
0x11: {  	[smem:$0x3FB3] =	sst s9;
	s0 =	simm.s32 @!p0 $0x0  }
0x12: {  	s1 =	sld [smem:$0x3F99];
	s0 =	simm.s32 @p0 $0x1  }
0x13: {  	[smem:$0x3FB4] =	sst s0;
	s0 =	simm.s32 @!p1 $0x0  }
0x14: {  	s2 =	sld [smem:$0x3F98];
	s0 =	simm.s32 @p1 $0x1  }
0x15: {  	[smem:$0x3FB5] =	sst s0;
	s0 =	simm.s32 @!p2 $0x0  }
0x16: {  	s3 =	sld [smem:$0x3FDB];
	s0 =	simm.s32 @p2 $0x1  }
0x17: {  	s4 =	simm.s32 $0x1BF5;
	[smem:$0x3FB7] =	sst s0  }
0x18: {  	s0 =	sld [smem:$0x3F9A];
	_ =	swait.ge [sflag:s4], $0x0  }
0x19: {  	s7 =	sld [smem:$0x3F9B]  }
0x1a: {  	s8 =	sadd.s32 $0xFFFFE003, lr  }
0x1b: {  	s9 =	sadd.s32 $0xFFFFFEF7, lr;
	s5 =	simm.s32 $0xFFFFFFFF;
	p2 =	slt.u32 s8, $0xFFFFF086  }
0x1c: {  	p1 =	slt.u32 s9, $0xF7A;
	s5 =	simm.s32 @!p2 $0x0  }
0x1d: {  	s5 =	simm.s32 @p1 $0x1;
	p0 =	seq.s32 s7, s2  }
0x1e: {  	s7 =	smul.u32 @!p0 $0xF7A, s2;
	p2 =	seq.s32 @!p0 s5, $0x0  }
0x1f: {  	s9 =	smul.u32 $0xF7A, s1;
	s8 =	simm.s32 @!p0 $0x1BF5;
	p2 =	por !p2, p0  }
0x20: {  	[sflag:s8] =	ssyncset.s32 @!p0 $0xFFFFF086;
	s6 =	sadd.s32 @!p0 s3, s7;
	s7 =	simm.s32 @!p0 $0x108  }
0x21: {  	s3 =	sadd.s32 s3, s9;
	s6 =	sadd.s32 @!p0 $0x88, s6;
	s7 =	simm.s32 @p2 $0x1082  }
0x22: {  	[simem:s7], [sflag:s8] =	dma.local @!p0 [hbm:s6], $0xF7A  }
0x23: {  	s9 =	sor.u32 $0xD0000000, s2;
	s6 =	simm.s32 $0x108;
	_ =	swait.ge @!p0 [sflag:s8], $0x0  }
0x24: {  	s3 =	sadd.s32 $0x88, s3;
	s6 =	simm.s32 @!p1 $0x1082;
	[sflag:s4] =	ssyncset.s32 $0xFFFFF086  }
0x25: {  	[simem:s6], [sflag:s4] =	dma.local [hbm:s3], $0xF7A  }
0x26: {  	[smem:$0x3F9B] =	sst s1;
	(tag) =	ssettag s2;
	_ =	strace s9  }
0x27: {  	s1 =	sld [smem:$0x3FAB]  }
0x28: {  	s2 =	sld [smem:$0x3FAC]  }
0x29: {  	s4 =	sld [smem:$0x3FAE]  }
0x2a: {  	p0 =	seq.s32 s5, $0x0;
	s5 =	sld [smem:$0x3FAF]  }
0x2b: {  	s6 =	sld [smem:$0x3FB0]  }
0x2c: {  	s7 =	sld [smem:$0x3FB1]  }
0x2d: {  	s3 =	simm.s32 $0x108;
	s8 =	sld [smem:$0x3FB2]  }
0x2e: {  	s3 =	simm.s32 @!p0 $0x1082;
	s9 =	sld [smem:$0x3FB3]  }
0x2f: {  	lr =	sadd.s32 s0, s3;
	s0 =	sld [smem:$0x3FAA]  }
0x30: {  	s3 =	sld [smem:$0x3FAD]  }
0x31: {  	[smem:$0x3FB6] =	sst s10  }
0x32: {  	s10 =	sld [smem:$0x3FB4];
	_ =	sdelay $0x3  }
0x33: {  	p0 =	seq.s32 s10, $0x1;
	s10 =	sld [smem:$0x3FB6];
	_ =	sdelay $0x3  }
0x34: {  	[smem:$0x3FB6] =	sst s10  }
0x35: {  	s10 =	sld [smem:$0x3FB5];
	_ =	sdelay $0x3  }
0x36: {  	p1 =	seq.s32 s10, $0x1;
	s10 =	sld [smem:$0x3FB6];
	_ =	sdelay $0x3  }
0x37: {  	[smem:$0x3FB6] =	sst s10  }
0x38: {  	s10 =	sld [smem:$0x3FB7]  }
0x39: {  	_ = 	snop;
	(pc) =	sbr.ind lr, $3  }
0x3a: {  	_ = 	snop  }
0x3b: {  	_ = 	snop  }
0x3c: {  	p2 =	seq.s32 s10, $0x1;
	s10 =	sld [smem:$0x3FB6]  }
0x3d: {  	_ =	shalt  }
0x3e: {  	_ =	shalt  }
0x3f: {  	_ =	shalt  }
0x40: {  	_ =	shalt  }
0x41: {  	_ =	shalt  }
0x42: {  	_ =	shalt  }
0x43: {  	_ =	shalt  }
0x44: {  	_ =	shalt  }
0x45: {  	_ =	shalt  }
0x46: {  	_ =	shalt  }
0x47: {  	_ =	shalt  }
0x48: {  	_ =	shalt  }
0x49: {  	_ =	shalt  }
0x4a: {  	_ =	shalt  }
0x4b: {  	_ =	shalt  }
0x4c: {  	_ =	shalt  }
0x4d: {  	_ =	shalt  }
0x4e: {  	_ =	shalt  }
0x4f: {  	_ =	shalt  }
0x50: {  	_ =	shalt  }
0x51: {  	_ =	shalt  }
0x52: {  	_ =	shalt  }
0x53: {  	_ =	shalt  }
0x54: {  	_ =	shalt  }
0x55: {  	_ =	shalt  }
0x56: {  	_ =	shalt  }
0x57: {  	_ =	shalt  }
0x58: {  	_ =	shalt  }
0x59: {  	_ =	shalt  }
0x5a: {  	_ =	shalt  }
0x5b: {  	_ =	shalt  }
0x5c: {  	_ =	shalt  }
0x5d: {  	_ =	shalt  }
0x5e: {  	_ =	shalt  }
0x5f: {  	_ =	shalt  }
0x60: {  	_ =	shalt  }
0x61: {  	_ =	shalt  }
0x62: {  	_ =	shalt  }
0x63: {  	_ =	shalt  }
0x64: {  	_ =	shalt  }
0x65: {  	_ =	shalt  }
0x66: {  	_ =	shalt  }
0x67: {  	_ =	shalt  }
0x68: {  	_ =	shalt  }
0x69: {  	_ =	shalt  }
0x6a: {  	_ =	shalt  }
0x6b: {  	_ =	shalt  }
0x6c: {  	_ =	shalt  }
0x6d: {  	_ =	shalt  }
0x6e: {  	_ =	shalt  }
0x6f: {  	_ =	shalt  }
0x70: {  	_ =	shalt  }
0x71: {  	_ =	shalt  }
0x72: {  	_ =	shalt  }
0x73: {  	_ =	shalt  }
0x74: {  	_ =	shalt  }
0x75: {  	_ =	shalt  }
0x76: {  	_ =	shalt  }
0x77: {  	_ =	shalt  }
0x78: {  	_ =	shalt  }
0x79: {  	_ =	shalt  }
0x7a: {  	_ =	shalt  }
0x7b: {  	_ =	shalt  }
0x7c: {  	_ =	shalt  }
0x7d: {  	_ =	shalt  }
0x7e: {  	_ =	shalt  }
0x7f: {  	_ =	shalt  }
0x80: {  	_ =	shalt  }
0x81: {  	_ =	shalt  }
0x82: {  	_ =	shalt  }
0x83: {  	_ =	shalt  }
0x84: {  	_ =	shalt  }
0x85: {  	_ =	shalt  }
0x86: {  	_ =	shalt  }
0x87: {  	_ =	shalt  }
.Lfunc_end0:
.L_simem_size_0:
called_computation_lowered:
.L_overlay_start_0:
0x88: {  	s2 =	sld [smem:$0x3FD9]  }
0x89: {  	s3 =	sld [smem:$0x3FFE];
	_ =	sdelay $0x1  }
0x8a: {  	s1 =	srdreg.scid  }
0x8b: {  	s0 =	sand.u32 $0x1, s1  }
0x8c: {  	s17 =	sshll.u32 s0, $0xA;
	s2 =	sadd.s32 s3, s2  }
0x8d: {  	s2 =	sadd.s32 s2, s17  }
0x8e: {  	[smem:$0x3FC2] =	sst s2  }
0x8f: {  	_ = 	snop  }
0x90: {  	s2 =	sld [smem:$0x3FC9]  }
0x91: {  	s18 =	sld [smem:$0x3FC8];
	(tm) =	ssettm $0x1  }
0x92: {  	s4 =	sld [smem:$0x3FFB];
	_ =	sdelay $0x3  }
0x93: {  	_ =	strace s4  }
0x94: {  	s4 =	sld [smem:$0x3FFC];
	_ =	sdelay $0x3  }
0x95: {  	_ =	strace s4  }
0x96: {  	s4 =	sld [smem:$0x3FFD];
	_ =	sdelay $0x3  }
0x97: {  	_ =	strace s4  }
0x98: {  	_ =	strace $0x8FFFFFFF  }
0x99: {  	s19 =	sld [smem:$0x3FDB];
	_ =	sdelay $0x1  }
0x9a: {  	s5 =	simm.s32 $_scs_section_size  }
0x9b: {  	s6 =	simm.s32 $_size__tile_overlayer_lowered;
	s7 =	simm.s32 $_tile_overlayer_lowered  }
0x9c: {  	s22 =	simm.s32 $0x1BFF;
	s21 =	sshll.u32 s7, $0x1;
	s4 =	sadd.s32 s5, s19  }
0x9d: {  	s8 =	simm.s32 $0x0;
	s20 =	sshll.u32 s6, $0x1;
	s6 =	sadd.s32 s21, s4  }
0x9e: {  	[timem:s8], [sflag:s22] =	dma.local [hbm:s6], s20  }
0x9f: {  	_ =	swait.ge [sflag:s22], s20  }
0xa0: {  	s5 =	ssub.s32 $0x0, s20;
	[sflag:s22] =	ssyncset.done $0x0  }
0xa1: {  	[sflag:s22] =	ssyncadd.s32 s5;
	_ =	sdelay $0x1  }
0xa2: {  	s23 =	simm.s32 $0x1B8B  }
0xa3: {  	_ =	swait.ge [sflag:s23], $0x1  }
0xa4: {  	[sflag:s23] =	ssyncset.done $0x0  }
0xa5: {  	s25 =	simm.s32 $0x1B8E;
	s24 =	sld [smem:$0x3FFE];
	[sflag:s23] =	ssyncadd.s32 $0xFFFFFFFF  }
0xa6: {  	s26 =	simm.s32 $execute0_lowered;
	[smem:$0x3FD2] =	sst s25  }
0xa7: {  	s6 =	sshll.u32 s26, $0x1;
	_ =	strace $0x80000046;
	[dreg:$0x1] =	wrdreg $0xFFFFFFFF  }
0xa8: {  	s28 =	simm.s32 $_size_execute0_lowered;
	s4 =	sadd.s32 s4, s6;
	[dreg:$0x0] =	wrdreg $0x0  }
0xa9: {  	s6 =	sshll.u32 s28, $0x1;
	[dreg:$0x2] =	wrdreg s4  }
0xaa: {  	[dreg:$0x3] =	wrdreg s6  }
0xab: {  	[dreg:$0x4] =	wrdreg $0xC0  }
0xac: {  	_ =	task [dreg:s8], $0x5FFFF  }
0xad: {  	[dreg:$0x1] =	wrdreg $0xFFFFFFFF  }
0xae: {  	[dreg:$0x0] =	wrdreg $0x60  }
0xaf: {  	[dreg:$0x2] =	wrdreg s2  }
0xb0: {  	[dreg:$0x3] =	wrdreg s18  }
0xb1: {  	[dreg:$0x4] =	wrdreg s24  }
0xb2: {  	[dreg:$0x5] =	wrdreg $0x88800  }
0xb3: {  	[dreg:$0x6] =	wrdreg $0x9  }
0xb4: {  	_ =	task.clear_ibuf [dreg:s8], $0x7FFFF;
	_ =	strace $0x90000046  }
0xb5: {  	s29 =	simm.s32 $0x9;
	_ =	strace $0x80000048  }
0xb6: {  	_ =	swait.ge [sflag:s29], $0x1  }
0xb7: {  	[sflag:s29] =	ssyncadd.s32 $0xFFFFFFFF  }
0xb8: {  	_ =	strace $0x90000048  }
0xb9: {  	_ =	sfence  }
0xba: {  	s30 =	sld [smem:$0x0];
	_ =	sdelay $0x2  }
0xbb: {  	s31 =	sshll.u32 s1, $0xD;
	s1 =	sshrl.u32 s1, $0x2  }
0xbc: {  	s3 =	sand.u32 $0x4000, s31;
	s1 =	sadd.s32 s1, s30  }
0xbd: {  	s0 =	sor.u32 s3, s0;
	s1 =	sshll.u32 s1, $0x11  }
0xbe: {  	s0 =	sor.u32 s1, s0  }
0xbf: {  	s0 =	sadd.s32 $0x8F2B, s0  }
0xc0: {  	[sflag:s0] =	ssyncadd.remote.s32 $0x1  }
0xc1: {  	_ =	sfence.sel $0xFFFF  }
0xc2: {  	[dreg:$0x0] =	wrdreg $0xFFFFFFFF;
	(pc) =	sbr.abs _section_cstart, $3  }
0xc3: {  	[dreg:$0x1] =	wrdreg $0xFFFFFFFF  }
0xc4: {  	_ =	task.clear_ibuf [dreg:s8], $0x2FFFF;
	_ =	strace $0x9FFFFFFF  }
0xc5: {  	(tm) =	ssettm $0x7FFFFFFF  }
tec
execute0_lowered:
.L_overlay_start_1:
0x0: {  	(tag) =	ssettag $0x1  }
0x1: {  	s6 =	rddreg [dreg:$0x0]  }
0x2: {  	s4 =	rddreg [dreg:$0x1]  }
0x3: {  	s5 =	rddreg [dreg:$0x2]  }
0x4: {  	s1 =	rddreg [dreg:$0x3];
	s2 =	srdreg.scid  }
0x5: {  	s0 =	rddreg [dreg:$0x4];
	s3 =	simm.s32 $0x0;
	s14 =	simm.s32 $0x3  }
0x6: {  	s7 =	sand.u32 $0x1, s2;
	s2 =	stileid.u32;
	[smem:$0x7FF] =	sst s3  }
0x7: {  	s8 =	sshll.u32 s7, $0x4;
	_ =	strace $0x80000047;
	s7 =	ssub.s32 $0x2, s7  }
0x8: {  	s12 =	sshll.u32 s2, $0x4;
	s31 =	sshll.u32 s2, $0xB;
	s8 =	sor.u32 s2, s8  }
0x9: {  	s11 =	sshrl.u32 s7, $0x1;
	s13 =	sand.u32 $0x70, s12;
	v0 =	vmov s12;
	s12 =	simm.s32 $0x1  }
0xa: {  	s9 =	sshll.u32 s8, $0x8;
	s10 =	sshll.u32 s8, $0x4;
	s11 =	ssub.s32 s7, s11  }
0xb: {  	s30 =	sshll.u32 s8, $0xB;
	s10 =	sand.u32 $0x180, s10;
	s9 =	sadd.s32 s9, s5  }
0xc: {  	s5 =	sadd.s32 s31, s1;
	s6 =	sadd.s32 s30, s6;
	s8 =	smax.u32 s11, $0x1  }
0xd: {  	s11 =	simm.s32 $0x8080;
	s29 =	sor.u32 s10, s13;
	s6 =	sadd.s32 $0x70000, s6  }
0xe: {  	s7 =	sadd.s32 $0x1400, s9;
	s9 =	simm.s32 $0x8000;
	s4 =	sadd.s32 s29, s4  }
0xf: {  	v1 =	vimm.f32 $0.0e+00;
	s10 =	simm.s32 $0x5;
	s13 =	simm.s32 $0x80;
	s4 =	sadd.s32 $0xE00, s4  }
.LBB2_1:
0x10: {  	[tilespmem:s9], [sflag:$0x5] =	stream.linear.gather [hbm4b:s4+s3], $0x80, $0x38;
	[tilespmem:$0x9080] =	vst v63  }
0x11: {  	_ =	swait.ge [sflag:s10], $0x80  }
0x12: {  	[sflag:s10] =	ssyncset.done $0x0  }
0x13: {  	[sflag:s10] =	ssyncadd.s32 $0xFFFFFF80  }
0x14: {  	[tilespmem:$0x8080] =	vst v1  }
0x15: {  	[tilespmem:$0x8090] =	vst v1  }
0x16: {  	[tilespmem:$0x80A0] =	vst v1  }
0x17: {  	[tilespmem:$0x80B0] =	vst v1  }
0x18: {  	[tilespmem:$0x80C0] =	vst v1  }
0x19: {  	[tilespmem:$0x80D0] =	vst v1  }
0x1a: {  	[tilespmem:$0x80E0] =	vst v1  }
0x1b: {  	[tilespmem:$0x80F0] =	vst v1  }
0x1c: {  	[tilespmem:$0x8100] =	vst v1  }
0x1d: {  	[tilespmem:$0x8110] =	vst v1  }
0x1e: {  	[tilespmem:$0x8120] =	vst v1  }
0x1f: {  	[tilespmem:$0x8130] =	vst v1  }
0x20: {  	[tilespmem:$0x8140] =	vst v1  }
0x21: {  	[tilespmem:$0x8150] =	vst v1  }
0x22: {  	[tilespmem:$0x8160] =	vst v1  }
0x23: {  	[tilespmem:$0x8170] =	vst v1  }
0x24: {  	[tilespmem:$0x8180] =	vst v1  }
0x25: {  	[tilespmem:$0x8190] =	vst v1  }
0x26: {  	[tilespmem:$0x81A0] =	vst v1  }
0x27: {  	[tilespmem:$0x81B0] =	vst v1  }
0x28: {  	[tilespmem:$0x81C0] =	vst v1  }
0x29: {  	[tilespmem:$0x81D0] =	vst v1  }
0x2a: {  	[tilespmem:$0x81E0] =	vst v1  }
0x2b: {  	[tilespmem:$0x81F0] =	vst v1  }
0x2c: {  	[tilespmem:$0x8200] =	vst v1  }
0x2d: {  	[tilespmem:$0x8210] =	vst v1  }
0x2e: {  	[tilespmem:$0x8220] =	vst v1  }
0x2f: {  	[tilespmem:$0x8230] =	vst v1  }
0x30: {  	[tilespmem:$0x8240] =	vst v1  }
0x31: {  	[tilespmem:$0x8250] =	vst v1  }
0x32: {  	[tilespmem:$0x8260] =	vst v1  }
0x33: {  	[tilespmem:$0x8270] =	vst v1  }
0x34: {  	[tilespmem:$0x8280] =	vst v1  }
0x35: {  	[tilespmem:$0x8290] =	vst v1  }
0x36: {  	[tilespmem:$0x82A0] =	vst v1  }
0x37: {  	[tilespmem:$0x82B0] =	vst v1  }
0x38: {  	[tilespmem:$0x82C0] =	vst v1  }
0x39: {  	[tilespmem:$0x82D0] =	vst v1  }
0x3a: {  	[tilespmem:$0x82E0] =	vst v1  }
0x3b: {  	[tilespmem:$0x82F0] =	vst v1  }
0x3c: {  	[tilespmem:$0x8300] =	vst v1  }
0x3d: {  	[tilespmem:$0x8310] =	vst v1  }
0x3e: {  	[tilespmem:$0x8320] =	vst v1  }
0x3f: {  	[tilespmem:$0x8330] =	vst v1  }
0x40: {  	[tilespmem:$0x8340] =	vst v1  }
0x41: {  	[tilespmem:$0x8350] =	vst v1  }
0x42: {  	[tilespmem:$0x8360] =	vst v1  }
0x43: {  	[tilespmem:$0x8370] =	vst v1  }
0x44: {  	[tilespmem:$0x8380] =	vst v1  }
0x45: {  	[tilespmem:$0x8390] =	vst v1  }
0x46: {  	[tilespmem:$0x83A0] =	vst v1  }
0x47: {  	[tilespmem:$0x83B0] =	vst v1  }
0x48: {  	[tilespmem:$0x83C0] =	vst v1  }
0x49: {  	[tilespmem:$0x83D0] =	vst v1  }
0x4a: {  	[tilespmem:$0x83E0] =	vst v1  }
0x4b: {  	[tilespmem:$0x83F0] =	vst v1  }
0x4c: {  	[tilespmem:$0x8400] =	vst v1  }
0x4d: {  	[tilespmem:$0x8410] =	vst v1  }
0x4e: {  	[tilespmem:$0x8420] =	vst v1  }
0x4f: {  	[tilespmem:$0x8430] =	vst v1  }
0x50: {  	[tilespmem:$0x8440] =	vst v1  }
0x51: {  	[tilespmem:$0x8450] =	vst v1  }
0x52: {  	[tilespmem:$0x8460] =	vst v1  }
0x53: {  	[tilespmem:$0x8470] =	vst v1  }
0x54: {  	[tilespmem:$0x8480] =	vst v1  }
0x55: {  	[tilespmem:$0x8490] =	vst v1  }
0x56: {  	[tilespmem:$0x84A0] =	vst v1  }
0x57: {  	[tilespmem:$0x84B0] =	vst v1  }
0x58: {  	[tilespmem:$0x84C0] =	vst v1  }
0x59: {  	[tilespmem:$0x84D0] =	vst v1  }
0x5a: {  	[tilespmem:$0x84E0] =	vst v1  }
0x5b: {  	[tilespmem:$0x84F0] =	vst v1  }
0x5c: {  	[tilespmem:$0x8500] =	vst v1  }
0x5d: {  	[tilespmem:$0x8510] =	vst v1  }
0x5e: {  	[tilespmem:$0x8520] =	vst v1  }
0x5f: {  	[tilespmem:$0x8530] =	vst v1  }
0x60: {  	[tilespmem:$0x8540] =	vst v1  }
0x61: {  	[tilespmem:$0x8550] =	vst v1  }
0x62: {  	[tilespmem:$0x8560] =	vst v1  }
0x63: {  	[tilespmem:$0x8570] =	vst v1  }
0x64: {  	[tilespmem:$0x8580] =	vst v1  }
0x65: {  	[tilespmem:$0x8590] =	vst v1  }
0x66: {  	[tilespmem:$0x85A0] =	vst v1  }
0x67: {  	[tilespmem:$0x85B0] =	vst v1  }
0x68: {  	[tilespmem:$0x85C0] =	vst v1  }
0x69: {  	[tilespmem:$0x85D0] =	vst v1  }
0x6a: {  	[tilespmem:$0x85E0] =	vst v1  }
0x6b: {  	[tilespmem:$0x85F0] =	vst v1  }
0x6c: {  	[tilespmem:$0x8600] =	vst v1  }
0x6d: {  	[tilespmem:$0x8610] =	vst v1  }
0x6e: {  	[tilespmem:$0x8620] =	vst v1  }
0x6f: {  	[tilespmem:$0x8630] =	vst v1  }
0x70: {  	[tilespmem:$0x8640] =	vst v1  }
0x71: {  	[tilespmem:$0x8650] =	vst v1  }
0x72: {  	[tilespmem:$0x8660] =	vst v1  }
0x73: {  	[tilespmem:$0x8670] =	vst v1  }
0x74: {  	[tilespmem:$0x8680] =	vst v1  }
0x75: {  	[tilespmem:$0x8690] =	vst v1  }
0x76: {  	[tilespmem:$0x86A0] =	vst v1  }
0x77: {  	[tilespmem:$0x86B0] =	vst v1  }
0x78: {  	[tilespmem:$0x86C0] =	vst v1  }
0x79: {  	[tilespmem:$0x86D0] =	vst v1  }
0x7a: {  	[tilespmem:$0x86E0] =	vst v1  }
0x7b: {  	[tilespmem:$0x86F0] =	vst v1  }
0x7c: {  	[tilespmem:$0x8700] =	vst v1  }
0x7d: {  	[tilespmem:$0x8710] =	vst v1  }
0x7e: {  	[tilespmem:$0x8720] =	vst v1  }
0x7f: {  	[tilespmem:$0x8730] =	vst v1  }
0x80: {  	[tilespmem:$0x8740] =	vst v1  }
0x81: {  	[tilespmem:$0x8750] =	vst v1  }
0x82: {  	[tilespmem:$0x8760] =	vst v1  }
0x83: {  	[tilespmem:$0x8770] =	vst v1  }
0x84: {  	[tilespmem:$0x8780] =	vst v1  }
0x85: {  	[tilespmem:$0x8790] =	vst v1  }
0x86: {  	[tilespmem:$0x87A0] =	vst v1  }
0x87: {  	[tilespmem:$0x87B0] =	vst v1  }
0x88: {  	[tilespmem:$0x87C0] =	vst v1  }
0x89: {  	[tilespmem:$0x87D0] =	vst v1  }
0x8a: {  	[tilespmem:$0x87E0] =	vst v1  }
0x8b: {  	[tilespmem:$0x87F0] =	vst v1  }
0x8c: {  	[tilespmem:$0x8800] =	vst v1  }
0x8d: {  	[tilespmem:$0x8810] =	vst v1  }
0x8e: {  	v2 =	vld [tilespmem:$0x8000];
	[tilespmem:$0x8820] =	vst v1  }
0x8f: {  	v3 =	vld [tilespmem:$0x8010];
	[tilespmem:$0x8830] =	vst v1  }
0x90: {  	v4 =	vld [tilespmem:$0x8020];
	[tilespmem:$0x8840] =	vst v1  }
0x91: {  	v5 =	vld [tilespmem:$0x8030];
	[tilespmem:$0x8850] =	vst v1  }
0x92: {  	v6 =	vld [tilespmem:$0x8040];
	[tilespmem:$0x8860] =	vst v1  }
0x93: {  	v7 =	vld [tilespmem:$0x8050];
	[tilespmem:$0x8870] =	vst v1;
	v2 =	vadd.s32 v0, v2  }
0x94: {  	[tilespmem:$0x8000] =	vst v2;
	v2 =	vadd.s32 v0, v3;
	v3 =	vld [tilespmem:$0x8060]  }
0x95: {  	v63 =	vld [tilespmem:$0x8070];
	[tilespmem:$0x8010] =	vst v2;
	v2 =	vadd.s32 v0, v4  }
0x96: {  	[tilespmem:$0x8020] =	vst v2;
	v2 =	vadd.s32 v0, v5  }
0x97: {  	[tilespmem:$0x8030] =	vst v2;
	v2 =	vadd.s32 v0, v6  }
0x98: {  	[tilespmem:$0x8040] =	vst v2;
	v2 =	vadd.s32 v0, v7  }
0x99: {  	[tilespmem:$0x8050] =	vst v2;
	v2 =	vadd.s32 v0, v3  }
0x9a: {  	[tilespmem:$0x8060] =	vst v2;
	v2 =	vadd.s32 v0, v63  }
0x9b: {  	[tilespmem:$0x8070] =	vst v2  }
0x9c: {  	[spmem:s5] =	stream.linear.scatter [tilespmem:s11], [sflag:$0x5], $0x800, $0x38;
	[tilespmem:$0x9080] =	vst v63  }
0x9d: {  	_ =	swait.ge [sflag:s10], $0x800  }
0x9e: {  	[sflag:s10] =	ssyncset.done $0x0  }
0x9f: {  	[sflag:s10] =	ssyncadd.s32 $0xFFFFF800  }
0xa0: {  	[tilespmem:s3], [sflag:$0x1] =	stream.linear.gather [hbm4b:s6+s3], $0x4000, $0x38;
	[tilespmem:$0x9080] =	vst v63  }
0xa1: {  	_ =	swait.ge [sflag:s12], $0x4000  }
0xa2: {  	[sflag:s12] =	ssyncset.done $0x0  }
0xa3: {  	[sflag:s12] =	ssyncadd.s32 $0xFFFFC000  }
0xa4: {  	[spmem:s1] =	stream.indirect.scatter.add.f32 [tilespmem:s3], [sflag:$0x3], $0x80, s9, s13, $0xb8;
	[tilespmem:$0x9080] =	vst v63  }
0xa5: {  	_ =	swait.ge [sflag:s14], $0x4000  }
0xa6: {  	[sflag:s14] =	ssyncset.done $0x0  }
0xa7: {  	[sflag:s14] =	ssyncadd.s32 $0xFFFFC000  }
0xa8: {  	[bflag:$0x0] =	sbarrier.arrive $0xFFFF  }
0xa9: {  	[bflag:$0x0] =	sbarrier.arrive $0xFFFF  }
0xaa: {  	[tilespmem:s11], [sflag:$0x5] =	stream.linear.gather [spmem:s5], $0x800, $0x38;
	[tilespmem:$0x9080] =	vst v63  }
0xab: {  	_ =	swait.ge [sflag:s10], $0x800  }
0xac: {  	p0 =	sne.s32 s8, $0x1;
	[sflag:s10] =	ssyncset.done $0x0  }
.Ltmp0:
0xad: {  	[sflag:s10] =	ssyncadd.s32 $0xFFFFF800;
	(pc) =	sbr.rel @p0 .LBB2_1-.Ltmp0, $4  }
0xae: {  	[hbm4b:s7+s3] =	stream.linear.scatter [tilespmem:s11], [sflag:$0x5], $0x800, $0x38;
	[tilespmem:$0x9080] =	vst v63  }
0xaf: {  	_ =	swait.ge [sflag:s10], $0x800  }
0xb0: {  	[sflag:s10] =	ssyncset.done $0x0  }
0xb1: {  	s8 =	sadd.s32 $0xFFFFFFFF, s8;
	[sflag:s10] =	ssyncadd.s32 $0xFFFFF800  }
0xb2: {  	_ =	sfence.sel $0x180000  }
0xb3: {  	[bflag:$0x0] =	sbarrier.arrive $0xFFFF  }
0xb4: {  	p0 =	sne.s32 s2, $0x0;
	_ =	strace $0x90000047  }
0xb5: {  	s0 =	sadd.s32 @!p0 $0x100000, s0;
	[bflag:$0x2] =	sbarrier.arrive $0xFFFF  }
0xb6: {  	[sflag:s0] =	ssyncadd.tile.s32 @!p0 $0x1;
	_ =	shalt  }
.Lfunc_end2:
_tile_overlayer_lowered:
.L_overlay_start_2:
0xb7: {  	(tag) =	ssettag $0x2  }
0xb8: {  	s0 =	rddreg [dreg:$0x0];
	s2 =	stileid.u32  }
0xb9: {  	s1 =	rddreg [dreg:$0x1];
	p0 =	sne.s32 s2, $0x0  }
0xba: {  	s3 =	rddreg [dreg:$0x2];
	[bflag:$0x3] =	sbarrier.arrive $0xFFFF;
	s2 =	simm.s32 @!p0 $0x1C05  }
0xbb: {  	[timem:s3], [sflag:s2] =	dma.local @!p0 [hbm:s0], s1  }
0xbc: {  	s0 =	simm.s32 @!p0 $0x5  }
0xbd: {  	_ =	swait.ge @!p0 [sflag:s0], s1  }
0xbe: {  	s1 =	ssub.s32 @!p0 $0x0, s1;
	[sflag:s0] =	ssyncset.done @!p0 $0x0  }
0xbf: {  	[sflag:s0] =	ssyncadd.s32 @!p0 s1  }
0xc0: {  	[bflag:$0x3] =	sbarrier.arrive $0xFFFF  }
0xc1: {  	_ =	shalt  }

</sc_bundles>
